<compile_context>
chip_gen: v7x
topology: tpu7x:2x2x1
jax: 0.10.2.dev20260603
libtpu: 0.0.44.dev20260713+nightly
codegen_flags: <defaults>
</compile_context>

<pallas_src>
import math

import jax
import jax.numpy as jnp
from jax.experimental import pallas as pl
from jax.experimental.pallas import tpu as pltpu

_SCALES = (128.0, 256.0, 512.0)
_ASPECT_RATIOS = (0.5, 1.0, 2.0)

_HW = 2500
_HWP = 2560
_NA = 9
_NSEL = 10000
_NOUT = 2000


def _generate_anchors(image_shape, feat_shape):
    grid_h, grid_w = feat_shape[-2], feat_shape[-1]
    image_h, image_w = image_shape[-2], image_shape[-1]
    stride_h = image_h // grid_h
    stride_w = image_w // grid_w
    scales = jnp.asarray(_SCALES, dtype=jnp.float32)
    aspect_ratios = jnp.asarray(_ASPECT_RATIOS, dtype=jnp.float32)
    h_ratios = jnp.sqrt(aspect_ratios)
    w_ratios = 1.0 / h_ratios
    ws = (w_ratios[:, None] * scales[None, :]).reshape(-1)
    hs = (h_ratios[:, None] * scales[None, :]).reshape(-1)
    base_anchors = jnp.round(jnp.stack([-ws, -hs, ws, hs], axis=1) / 2.0)
    shift_x = jnp.arange(0, grid_w, dtype=jnp.int32) * stride_w
    shift_y = jnp.arange(0, grid_h, dtype=jnp.int32) * stride_h
    sx, sy = jnp.meshgrid(shift_x, shift_y, indexing='ij')
    sx = sx.reshape(-1)
    sy = sy.reshape(-1)
    shifts = jnp.stack([sx, sy, sx, sy], axis=1).astype(jnp.float32)
    anchors = (shifts[:, None, :] + base_anchors[None, :, :]).reshape(-1, 4)
    return anchors



def _conv3x3_body(a_ref, w_ref, b_ref, o_ref):
    acc = jax.lax.dot_general(
        a_ref[...], w_ref[...], (((1,), (0,)), ((), ())),
        preferred_element_type=jnp.float32)
    o_ref[...] = jnp.maximum(acc + b_ref[...], 0.0)


def _conv3x3_relu(feat, W1, b1):
    x = jnp.moveaxis(feat[0], 0, -1)
    xp = jnp.pad(x, ((1, 1), (1, 1), (0, 0)))
    taps = [xp[ky:ky + 50, kx:kx + 50, :].reshape(_HW, 512)
            for ky in range(3) for kx in range(3)]
    A = jnp.pad(jnp.concatenate(taps, axis=1), ((0, _HWP - _HW), (0, 0)))
    W = jnp.transpose(W1, (2, 3, 1, 0)).reshape(9 * 512, 512)
    mb = 512
    return pl.pallas_call(
        _conv3x3_body, grid=(_HWP // mb,),
        in_specs=[pl.BlockSpec((mb, 9 * 512), lambda i: (i, 0)),
                  pl.BlockSpec((9 * 512, 512), lambda i: (0, 0)),
                  pl.BlockSpec((1, 512), lambda i: (0, 0))],
        out_specs=pl.BlockSpec((mb, 512), lambda i: (i, 0)),
        out_shape=jax.ShapeDtypeStruct((_HWP, 512), jnp.float32),
    )(A, W, b1[None, :])



def _heads_body(a_ref, wc_ref, wb_ref, c_ref, b_ref):
    a = a_ref[...]
    c_ref[...] = jax.lax.dot_general(
        a, wc_ref[...], (((1,), (0,)), ((), ())),
        preferred_element_type=jnp.float32)
    b_ref[...] = jax.lax.dot_general(
        a, wb_ref[...], (((1,), (0,)), ((), ())),
        preferred_element_type=jnp.float32)


def _conv_heads(rpn2d, Wc, Wb):
    Wc_p = jnp.pad(Wc[:, :, 0, 0].T, ((0, 0), (0, 128 - _NA)))
    Wb_p = jnp.pad(Wb[:, :, 0, 0].T, ((0, 0), (0, 128 - 36)))
    return pl.pallas_call(
        _heads_body,
        out_shape=(jax.ShapeDtypeStruct((_HWP, 128), jnp.float32),
                   jax.ShapeDtypeStruct((_HWP, 128), jnp.float32)),
    )(rpn2d, Wc_p, Wb_p)



_BBOX_CLIP = math.log(1000.0 / 16.0)


def _reg_body(pred_ref, anch_ref, cls_ref, prop_ref, score_ref):
    a0 = anch_ref[0:1, :]
    a1 = anch_ref[1:2, :]
    a2 = anch_ref[2:3, :]
    a3 = anch_ref[3:4, :]
    w = a2 - a0
    h = a3 - a1
    cx = a0 + 0.5 * w
    cy = a1 + 0.5 * h
    dx = pred_ref[0:1, :]
    dy = pred_ref[1:2, :]
    dw = jnp.minimum(pred_ref[2:3, :], _BBOX_CLIP)
    dh = jnp.minimum(pred_ref[3:4, :], _BBOX_CLIP)
    pcx = dx * w + cx
    pcy = dy * h + cy
    pw = jnp.exp(dw) * w
    ph = jnp.exp(dh) * h
    prop_ref[0:1, :] = pcx - 0.5 * pw
    prop_ref[1:2, :] = pcy - 0.5 * ph
    prop_ref[2:3, :] = pcx + 0.5 * pw
    prop_ref[3:4, :] = pcy + 0.5 * ph
    score_ref[...] = jax.nn.sigmoid(cls_ref[...])


def _regress_and_score(bbox_t, anchors_t, cls_row):
    np_ = bbox_t.shape[1]
    return pl.pallas_call(
        _reg_body,
        out_shape=(jax.ShapeDtypeStruct((4, np_), jnp.float32),
                   jax.ShapeDtypeStruct((1, np_), jnp.float32)),
    )(bbox_t, anchors_t, cls_row)



_NMS_B = 1024


def _iou_block(rows, tcols):
    x1a = rows[:, 0:1]
    y1a = rows[:, 1:2]
    x2a = rows[:, 2:3]
    y2a = rows[:, 3:4]
    x1b = tcols[0:1, :]
    y1b = tcols[1:2, :]
    x2b = tcols[2:3, :]
    y2b = tcols[3:4, :]
    area_a = (x2a - x1a) * (y2a - y1a)
    area_b = (x2b - x1b) * (y2b - y1b)
    xx1 = jnp.maximum(x1a, x1b)
    yy1 = jnp.maximum(y1a, y1b)
    xx2 = jnp.minimum(x2a, x2b)
    yy2 = jnp.minimum(y2a, y2b)
    inter = jnp.maximum(xx2 - xx1, 0.0) * jnp.maximum(yy2 - yy1, 0.0)
    iou = inter / (area_a + area_b - inter + 1e-9)
    return (iou > 0.7).astype(jnp.float32)


def _nms_blocked_body(rows_ref, tcols_ref, supp_ref, keep_ref, mjj_ref):
    B = _NMS_B
    nb = rows_ref.shape[0] // B

    def block_step(j, _):
        jb = j * B
        rows_j = rows_ref[pl.ds(jb, B), :]
        tcols_j = tcols_ref[:, pl.ds(jb, B)]

        def cross(i, acc):
            ib = i * B
            rows_i = rows_ref[pl.ds(ib, B), :]
            m = _iou_block(rows_i, tcols_j)
            keep_i = keep_ref[pl.ds(i, 1), :]
            return acc + jnp.dot(keep_i, m, preferred_element_type=jnp.float32)

        ext = jax.lax.fori_loop(0, j, cross, jnp.zeros((1, B), jnp.float32))
        supp_j0 = (ext > 0.0).astype(jnp.float32)

        mjj = _iou_block(rows_j, tcols_j)
        ids = jax.lax.broadcasted_iota(jnp.int32, (B, B), 0)
        jds = jax.lax.broadcasted_iota(jnp.int32, (B, B), 1)
        mjj_ref[...] = jnp.where(jds > ids, mjj, 0.0)

        lane = jax.lax.broadcasted_iota(jnp.int32, (1, B), 1)

        def intra(r, s):
            bit = jnp.sum(jnp.where(lane == r, s, 0.0), axis=1, keepdims=True)
            row = mjj_ref[pl.ds(r, 1), :]
            return jnp.maximum(s, row * (1.0 - bit))

        supp_j = jax.lax.fori_loop(0, B, intra, supp_j0)
        keep_ref[pl.ds(j, 1), :] = 1.0 - supp_j
        supp_ref[pl.ds(j, 1), :] = supp_j
        return 0

    jax.lax.fori_loop(0, nb, block_step, 0)


def _nms_suppress_mask(boxes):
    n = boxes.shape[0]
    B = _NMS_B
    n_pad = ((n + B - 1) // B) * B
    nb = n_pad // B
    rows = jnp.zeros((n_pad, 4), jnp.float32).at[:n].set(boxes)
    tcols = rows.T
    supp = pl.pallas_call(
        _nms_blocked_body,
        out_shape=jax.ShapeDtypeStruct((nb, B), jnp.float32),
        scratch_shapes=[
            pltpu.VMEM((nb, B), jnp.float32),
            pltpu.VMEM((B, B), jnp.float32),
        ],
    )(rows, tcols)
    return supp.reshape(-1)[:n] > 0.0


def kernel(image, feat, W1, b1, Wc, bc, Wb, bb):
    image_shape = image.shape
    assert image_shape[-2] == image_shape[-1] == 800
    n_all = _HW * _NA
    n_pad = 22528

    rpn2d = _conv3x3_relu(feat, W1, b1)
    cls2d, bbox2d = _conv_heads(rpn2d, Wc, Wb)

    cls_flat = (cls2d[:_HW, :_NA] + bc[None, :]).reshape(-1)
    bbox_buf = (bbox2d[:_HW, :36] + bb[None, :]).reshape(-1)
    bbox_t = jnp.pad(
        bbox_buf.reshape(_NA, 4, _HW).transpose(1, 2, 0).reshape(4, n_all),
        ((0, 0), (0, n_pad - n_all)))
    anchors = _generate_anchors(image_shape, feat.shape)
    anchors_t = jnp.pad(anchors.T, ((0, 0), (0, n_pad - n_all)))
    cls_row = jnp.pad(cls_flat[None, :], ((0, 0), (0, n_pad - n_all)))

    prop_t, score_row = _regress_and_score(bbox_t, anchors_t, cls_row)
    proposals = prop_t[:, :n_all].T
    scores = score_row[0, :n_all]

    top_scores, top_idx = jax.lax.top_k(scores, _NSEL)
    boxes_sorted = jnp.clip(proposals[top_idx], 0.0, float(image_shape[-1]))
    supp = _nms_suppress_mask(boxes_sorted)
    masked = jnp.where(supp, -jnp.inf, top_scores)
    keep_scores, keep_idx = jax.lax.top_k(masked, _NOUT)
    valid = keep_scores > -jnp.inf
    out_boxes = jnp.where(valid[:, None], boxes_sorted[keep_idx], 0.0)
    out_scores = jnp.where(valid, keep_scores, 0.0)
    return out_boxes, out_scores

# --- scband reference (transcript-rebuilt; emitter-appended) ---
"""Pipeline reference for scband-region-proposal-network-62697932587142 (READ-ONLY COPY).

The authoritative reference and input builder live on the scoring server;
editing this copy changes nothing except your own understanding.
"""

import jax, jax.numpy as jnp
import numpy as np
import math

SCALES = (128.0, 256.0, 512.0)
ASPECT_RATIOS = (0.5, 1.0, 2.0)


def conv2d(x, w, b):
    out = jax.lax.conv_general_dilated(x, w, window_strides=(1, 1), padding='SAME', dimension_numbers=('NCHW', 'OIHW', 'NCHW'))
    return out + b[None, :, None, None]


def generate_anchors(image_shape, feat_shape):
    grid_h, grid_w = feat_shape[-2], feat_shape[-1]
    image_h, image_w = image_shape[-2], image_shape[-1]
    stride_h = image_h // grid_h
    stride_w = image_w // grid_w
    scales = jnp.asarray(SCALES, dtype=jnp.float32)
    aspect_ratios = jnp.asarray(ASPECT_RATIOS, dtype=jnp.float32)
    h_ratios = jnp.sqrt(aspect_ratios)
    w_ratios = 1.0 / h_ratios
    ws = (w_ratios[:, None] * scales[None, :]).reshape(-1)
    hs = (h_ratios[:, None] * scales[None, :]).reshape(-1)
    base_anchors = jnp.round(jnp.stack([-ws, -hs, ws, hs], axis=1) / 2.0)
    shift_x = jnp.arange(0, grid_w, dtype=jnp.int32) * stride_w
    shift_y = jnp.arange(0, grid_h, dtype=jnp.int32) * stride_h
    sx, sy = jnp.meshgrid(shift_x, shift_y, indexing='ij')
    sx = sx.reshape(-1)
    sy = sy.reshape(-1)
    shifts = jnp.stack([sx, sy, sx, sy], axis=1).astype(jnp.float32)
    anchors = (shifts[:, None, :] + base_anchors[None, :, :]).reshape(-1, 4)
    return anchors


def apply_regression(pred, anchors):
    # pred: (N, 1, 4), anchors: (N, 4)
    w = anchors[:, 2] - anchors[:, 0]
    h = anchors[:, 3] - anchors[:, 1]
    cx = anchors[:, 0] + 0.5 * w
    cy = anchors[:, 1] + 0.5 * h
    dx = pred[..., 0]
    dy = pred[..., 1]
    dw = jnp.minimum(pred[..., 2], math.log(1000.0 / 16.0))
    dh = jnp.minimum(pred[..., 3], math.log(1000.0 / 16.0))
    pcx = dx * w[:, None] + cx[:, None]
    pcy = dy * h[:, None] + cy[:, None]
    pw = jnp.exp(dw) * w[:, None]
    ph = jnp.exp(dh) * h[:, None]
    return jnp.stack([pcx - 0.5 * pw, pcy - 0.5 * ph, pcx + 0.5 * pw, pcy + 0.5 * ph], axis=-1)


def clamp_boxes(boxes, image_shape):
    h = image_shape[-2]
    w = image_shape[-1]
    x1 = jnp.clip(boxes[..., 0], 0, w)
    y1 = jnp.clip(boxes[..., 1], 0, h)
    x2 = jnp.clip(boxes[..., 2], 0, w)
    y2 = jnp.clip(boxes[..., 3], 0, h)
    return jnp.stack([x1, y1, x2, y2], axis=-1)


def nms_suppress_mask(boxes, iou_threshold):
    n = boxes.shape[0]
    areas = (boxes[:, 2] - boxes[:, 0]) * (boxes[:, 3] - boxes[:, 1])
    idx = jnp.arange(n)

    def body(i, supp):
        xx1 = jnp.maximum(boxes[i, 0], boxes[:, 0])
        yy1 = jnp.maximum(boxes[i, 1], boxes[:, 1])
        xx2 = jnp.minimum(boxes[i, 2], boxes[:, 2])
        yy2 = jnp.minimum(boxes[i, 3], boxes[:, 3])
        inter = jnp.maximum(xx2 - xx1, 0.0) * jnp.maximum(yy2 - yy1, 0.0)
        iou = inter / (areas[i] + areas - inter + 1e-9)
        newly = (iou > iou_threshold) & (idx > i) & jnp.logical_not(supp[i])
        return supp | newly

    return jax.lax.fori_loop(0, n, body, jnp.zeros((n,), dtype=bool))


def filter_proposals(proposals, cls_scores, image_shape):
    scores = jax.nn.sigmoid(cls_scores.reshape(-1))
    top_scores, top_idx = jax.lax.top_k(scores, 10000)
    proposals = proposals[top_idx]
    proposals = clamp_boxes(proposals, image_shape)
    # torchvision.nms sorts by descending score internally and returns keeps in score order
    order = jnp.argsort(-top_scores)
    boxes_sorted = proposals[order]
    scores_sorted = top_scores[order]
    supp = nms_suppress_mask(jax.lax.stop_gradient(boxes_sorted), 0.7)
    masked = jnp.where(supp, -jnp.inf, scores_sorted)
    keep_scores, keep_idx = jax.lax.top_k(masked, 2000)
    valid = keep_scores > -jnp.inf
    out_boxes = jnp.where(valid[:, None], boxes_sorted[keep_idx], 0.0)
    out_scores = jnp.where(valid, keep_scores, 0.0)
    return out_boxes, out_scores


def rpn_forward(image, feat, W1, b1, Wc, bc, Wb, bb, detach=True):
    rpn_feat = jax.nn.relu(conv2d(feat, W1, b1))
    cls_scores = conv2d(rpn_feat, Wc, bc)
    bbox_pred = conv2d(rpn_feat, Wb, bb)
    anchors = generate_anchors(image.shape, feat.shape)
    num_anchors = cls_scores.shape[1]
    cls_flat = jnp.transpose(cls_scores, (0, 2, 3, 1)).reshape(-1, 1)
    b = bbox_pred.shape[0]
    fh = rpn_feat.shape[-2]
    fw = rpn_feat.shape[-1]
    t = jnp.transpose(bbox_pred, (0, 2, 3, 1)).reshape(b, num_anchors, 4, fh, fw)
    t = jnp.transpose(t, (0, 3, 4, 1, 2))
    bbox_flat = t.reshape(-1, 4)
    reg = bbox_flat
    cls_for_filter = cls_flat
    if detach:
        reg = jax.lax.stop_gradient(reg)
        cls_for_filter = jax.lax.stop_gradient(cls_for_filter)
    proposals = apply_regression(reg.reshape(-1, 1, 4), anchors)
    proposals = proposals.reshape(proposals.shape[0], 4)
    return filter_proposals(proposals, cls_for_filter, image.shape)


def setup_inputs(seed: int = 0):
    key = jax.random.key(seed)
    ks = jax.random.split(key, 6)
    image = jax.random.normal(ks[0], (1, 3, 800, 800), dtype=jnp.float32)
    feat = jax.random.normal(ks[1], (1, 512, 50, 50), dtype=jnp.float32)
    W1 = jax.random.normal(ks[2], (512, 512, 3, 3), dtype=jnp.float32) * 0.01
    b1 = jnp.zeros((512,), dtype=jnp.float32)
    Wc = jax.random.normal(ks[3], (9, 512, 1, 1), dtype=jnp.float32) * 0.01
    bc = jnp.zeros((9,), dtype=jnp.float32)
    Wb = jax.random.normal(ks[4], (36, 512, 1, 1), dtype=jnp.float32) * 0.01
    bb = jnp.zeros((36,), dtype=jnp.float32)
    return {"image": image, "feat": feat, "W1": W1, "b1": b1, "Wc": Wc, "bc": bc, "Wb": Wb, "bb": bb}


def reference(image, feat, W1, b1, Wc, bc, Wb, bb):
    return rpn_forward(image, feat, W1, b1, Wc, bc, Wb, bb, detach=True)

if __name__ == "__main__":
    import jax
    _d = setup_inputs()
    print(jax.jit(kernel)(*tuple(_d.values())))

</pallas_src>

<mosaic_0001>
module attributes {stable_mosaic.version = 14 : i64} {
  func.func @_conv3x3_body(%arg0: i32, %arg1: memref<512x4608xf32, #tpu.memory_space<vmem>>, %arg2: memref<4608x512xf32, #tpu.memory_space<vmem>>, %arg3: memref<1x512xf32, #tpu.memory_space<vmem>>, %arg4: memref<512x512xf32, #tpu.memory_space<vmem>>) attributes {dimension_semantics = [#tpu.dimension_semantics<arbitrary>], iteration_bounds = array<i64: 5>, scalar_prefetch = 0 : i64, scratch_operands = 0 : i64, tpu.core_type = #tpu.core_type<tc>, window_params = [{transform_indices = @transform_0, window_bounds = array<i64: 512, 4608>}, {pipeline_mode = #tpu.pipeline_mode<synchronous>, transform_indices = @transform_1, window_bounds = array<i64: 4608, 512>}, {pipeline_mode = #tpu.pipeline_mode<synchronous>, transform_indices = @transform_2, window_bounds = array<i64: 1, 512>}, {transform_indices = @transform_3, window_bounds = array<i64: 512, 512>}]} {
    %get3A = arith.constant 0 : index
    %get3A_0 = arith.constant 0 : index
    %get3A_1 = vector.load %arg1[%get3A, %get3A_0] : memref<512x4608xf32, #tpu.memory_space<vmem>>, vector<512x4608xf32>
    %get3A_2 = arith.constant 0 : index
    %get3A_3 = arith.constant 0 : index
    %get3A_4 = vector.load %arg2[%get3A_2, %get3A_3] : memref<4608x512xf32, #tpu.memory_space<vmem>>, vector<4608x512xf32>
    %dot_general3A = arith.constant dense<0.000000e+00> : vector<512x512xf32>
    %dot_general3A_5 = tpu.matmul %get3A_1, %get3A_4, %dot_general3A {dimension_numbers = #tpu.dot_dimension_numbers<[1], [0], [0], [1], [0, 0, 1, 1], [], []>, transpose_lhs_hint = false} : vector<512x4608xf32>, vector<4608x512xf32>, vector<512x512xf32> -> vector<512x512xf32>
    %get3A_6 = arith.constant 0 : index
    %get3A_7 = arith.constant 0 : index
    %get3A_8 = vector.load %arg3[%get3A_6, %get3A_7] : memref<1x512xf32, #tpu.memory_space<vmem>>, vector<1x512xf32>
    %add3A = vector.broadcast %get3A_8 : vector<1x512xf32> to vector<512x512xf32>
    %add3A_9 = arith.addf %dot_general3A_5, %add3A : vector<512x512xf32>
    %max3A = arith.constant 0.000000e+00 : f32
    %max3A_10 = vector.broadcast %max3A : f32 to vector<512x512xf32>
    %max3A_11 = arith.maximumf %add3A_9, %max3A_10 : vector<512x512xf32>
    %swap3A = arith.constant 0 : index
    %swap3A_12 = arith.constant 0 : index
    %swap3A_13 = vector.load %arg4[%swap3A, %swap3A_12] : memref<512x512xf32, #tpu.memory_space<vmem>>, vector<512x512xf32>
    tpu.vector_store %arg4[%swap3A, %swap3A_12], %max3A_11 {strides = array<i32>} : memref<512x512xf32, #tpu.memory_space<vmem>>, vector<512x512xf32>,
    return
  }
  func.func @transform_0(%arg0: i32) -> (i32, i32) {
    %c0_i32 = arith.constant 0 : i32
    %c0_i32_0 = arith.constant 0 : i32
    return %arg0, %c0_i32 : i32, i32
  }
  func.func @transform_1(%arg0: i32) -> (i32, i32) {
    %c0_i32 = arith.constant 0 : i32
    %c0_i32_0 = arith.constant 0 : i32
    %c0_i32_1 = arith.constant 0 : i32
    return %c0_i32, %c0_i32_0 : i32, i32
  }
  func.func @transform_2(%arg0: i32) -> (i32, i32) {
    %c0_i32 = arith.constant 0 : i32
    %c0_i32_0 = arith.constant 0 : i32
    %c0_i32_1 = arith.constant 0 : i32
    return %c0_i32, %c0_i32_0 : i32, i32
  }
  func.func @transform_3(%arg0: i32) -> (i32, i32) {
    %c0_i32 = arith.constant 0 : i32
    %c0_i32_0 = arith.constant 0 : i32
    return %arg0, %c0_i32 : i32, i32
  }
}

module attributes {stable_mosaic.version = 14 : i64} {
  func.func @_heads_body(%arg0: memref<2560x512xf32, #tpu.memory_space<vmem>>, %arg1: memref<512x128xf32, #tpu.memory_space<vmem>>, %arg2: memref<512x128xf32, #tpu.memory_space<vmem>>, %arg3: memref<2560x128xf32, #tpu.memory_space<vmem>>, %arg4: memref<2560x128xf32, #tpu.memory_space<vmem>>) attributes {dimension_semantics = [], scalar_prefetch = 0 : i64, scratch_operands = 0 : i64, tpu.core_type = #tpu.core_type<tc>} {
    %get3A = arith.constant 0 : index
    %get3A_0 = arith.constant 0 : index
    %get3A_1 = vector.load %arg0[%get3A, %get3A_0] : memref<2560x512xf32, #tpu.memory_space<vmem>>, vector<2560x512xf32>
    %get3A_2 = arith.constant 0 : index
    %get3A_3 = arith.constant 0 : index
    %get3A_4 = vector.load %arg1[%get3A_2, %get3A_3] : memref<512x128xf32, #tpu.memory_space<vmem>>, vector<512x128xf32>
    %dot_general3A = arith.constant dense<0.000000e+00> : vector<2560x128xf32>
    %dot_general3A_5 = tpu.matmul %get3A_1, %get3A_4, %dot_general3A {dimension_numbers = #tpu.dot_dimension_numbers<[1], [0], [0], [1], [0, 0, 1, 1], [], []>, transpose_lhs_hint = false} : vector<2560x512xf32>, vector<512x128xf32>, vector<2560x128xf32> -> vector<2560x128xf32>
    %swap3A = arith.constant 0 : index
    %swap3A_6 = arith.constant 0 : index
    %swap3A_7 = vector.load %arg3[%swap3A, %swap3A_6] : memref<2560x128xf32, #tpu.memory_space<vmem>>, vector<2560x128xf32>
    tpu.vector_store %arg3[%swap3A, %swap3A_6], %dot_general3A_5 {strides = array<i32>} : memref<2560x128xf32, #tpu.memory_space<vmem>>, vector<2560x128xf32>,
    %get3A_8 = arith.constant 0 : index
    %get3A_9 = arith.constant 0 : index
    %get3A_10 = vector.load %arg2[%get3A_8, %get3A_9] : memref<512x128xf32, #tpu.memory_space<vmem>>, vector<512x128xf32>
    %dot_general3A_11 = arith.constant dense<0.000000e+00> : vector<2560x128xf32>
    %dot_general3A_12 = tpu.matmul %get3A_1, %get3A_10, %dot_general3A_11 {dimension_numbers = #tpu.dot_dimension_numbers<[1], [0], [0], [1], [0, 0, 1, 1], [], []>, transpose_lhs_hint = false} : vector<2560x512xf32>, vector<512x128xf32>, vector<2560x128xf32> -> vector<2560x128xf32>
    %swap3A_13 = arith.constant 0 : index
    %swap3A_14 = arith.constant 0 : index
    %swap3A_15 = vector.load %arg4[%swap3A_13, %swap3A_14] : memref<2560x128xf32, #tpu.memory_space<vmem>>, vector<2560x128xf32>
    tpu.vector_store %arg4[%swap3A_13, %swap3A_14], %dot_general3A_12 {strides = array<i32>} : memref<2560x128xf32, #tpu.memory_space<vmem>>, vector<2560x128xf32>,
    return
  }
}

module attributes {stable_mosaic.version = 14 : i64} {
  func.func @_reg_body(%arg0: memref<4x22528xf32, #tpu.memory_space<vmem>>, %arg1: memref<4x22528xf32, #tpu.memory_space<vmem>>, %arg2: memref<1x22528xf32, #tpu.memory_space<vmem>>, %arg3: memref<4x22528xf32, #tpu.memory_space<vmem>>, %arg4: memref<1x22528xf32, #tpu.memory_space<vmem>>) attributes {dimension_semantics = [], scalar_prefetch = 0 : i64, scratch_operands = 0 : i64, tpu.core_type = #tpu.core_type<tc>} {
    %get3A = arith.constant 0 : index
    %get3A_0 = arith.constant 0 : index
    %get3A_1 = vector.load %arg1[%get3A, %get3A_0] : memref<4x22528xf32, #tpu.memory_space<vmem>>, vector<1x22528xf32>
    %get3A_2 = arith.constant 1 : index
    %get3A_3 = arith.constant 0 : index
    %get3A_4 = vector.load %arg1[%get3A_2, %get3A_3] : memref<4x22528xf32, #tpu.memory_space<vmem>>, vector<1x22528xf32>
    %get3A_5 = arith.constant 2 : index
    %get3A_6 = arith.constant 0 : index
    %get3A_7 = vector.load %arg1[%get3A_5, %get3A_6] : memref<4x22528xf32, #tpu.memory_space<vmem>>, vector<1x22528xf32>
    %get3A_8 = arith.constant 3 : index
    %get3A_9 = arith.constant 0 : index
    %get3A_10 = vector.load %arg1[%get3A_8, %get3A_9] : memref<4x22528xf32, #tpu.memory_space<vmem>>, vector<1x22528xf32>
    %sub3A = arith.subf %get3A_7, %get3A_1 : vector<1x22528xf32>
    %sub3A_11 = arith.subf %get3A_10, %get3A_4 : vector<1x22528xf32>
    %mul3A = arith.constant 5.000000e-01 : f32
    %mul3A_12 = vector.broadcast %mul3A : f32 to vector<1x22528xf32>
    %mul3A_13 = arith.mulf %mul3A_12, %sub3A : vector<1x22528xf32>
    %add3A = arith.addf %get3A_1, %mul3A_13 : vector<1x22528xf32>
    %mul3A_14 = arith.constant 5.000000e-01 : f32
    %mul3A_15 = vector.broadcast %mul3A_14 : f32 to vector<1x22528xf32>
    %mul3A_16 = arith.mulf %mul3A_15, %sub3A_11 : vector<1x22528xf32>
    %add3A_17 = arith.addf %get3A_4, %mul3A_16 : vector<1x22528xf32>
    %get3A_18 = arith.constant 0 : index
    %get3A_19 = arith.constant 0 : index
    %get3A_20 = vector.load %arg0[%get3A_18, %get3A_19] : memref<4x22528xf32, #tpu.memory_space<vmem>>, vector<1x22528xf32>
    %get3A_21 = arith.constant 1 : index
    %get3A_22 = arith.constant 0 : index
    %get3A_23 = vector.load %arg0[%get3A_21, %get3A_22] : memref<4x22528xf32, #tpu.memory_space<vmem>>, vector<1x22528xf32>
    %get3A_24 = arith.constant 2 : index
    %get3A_25 = arith.constant 0 : index
    %get3A_26 = vector.load %arg0[%get3A_24, %get3A_25] : memref<4x22528xf32, #tpu.memory_space<vmem>>, vector<1x22528xf32>
    %min3A = arith.constant 4.13516665 : f32
    %min3A_27 = vector.broadcast %min3A : f32 to vector<1x22528xf32>
    %min3A_28 = arith.minimumf %get3A_26, %min3A_27 : vector<1x22528xf32>
    %get3A_29 = arith.constant 3 : index
    %get3A_30 = arith.constant 0 : index
    %get3A_31 = vector.load %arg0[%get3A_29, %get3A_30] : memref<4x22528xf32, #tpu.memory_space<vmem>>, vector<1x22528xf32>
    %min3A_32 = arith.constant 4.13516665 : f32
    %min3A_33 = vector.broadcast %min3A_32 : f32 to vector<1x22528xf32>
    %min3A_34 = arith.minimumf %get3A_31, %min3A_33 : vector<1x22528xf32>
    %mul3A_35 = arith.mulf %get3A_20, %sub3A : vector<1x22528xf32>
    %add3A_36 = arith.addf %mul3A_35, %add3A : vector<1x22528xf32>
    %mul3A_37 = arith.mulf %get3A_23, %sub3A_11 : vector<1x22528xf32>
    %add3A_38 = arith.addf %mul3A_37, %add3A_17 : vector<1x22528xf32>
    %exp3A = math.exp %min3A_28 : vector<1x22528xf32>
    %mul3A_39 = arith.mulf %exp3A, %sub3A : vector<1x22528xf32>
    %exp3A_40 = math.exp %min3A_34 : vector<1x22528xf32>
    %mul3A_41 = arith.mulf %exp3A_40, %sub3A_11 : vector<1x22528xf32>
    %mul3A_42 = arith.constant 5.000000e-01 : f32
    %mul3A_43 = vector.broadcast %mul3A_42 : f32 to vector<1x22528xf32>
    %mul3A_44 = arith.mulf %mul3A_43, %mul3A_39 : vector<1x22528xf32>
    %sub3A_45 = arith.subf %add3A_36, %mul3A_44 : vector<1x22528xf32>
    %swap3A = arith.constant 0 : index
    %swap3A_46 = arith.constant 0 : index
    %swap3A_47 = vector.load %arg3[%swap3A, %swap3A_46] : memref<4x22528xf32, #tpu.memory_space<vmem>>, vector<1x22528xf32>
    tpu.vector_store %arg3[%swap3A, %swap3A_46], %sub3A_45 {strides = array<i32>} : memref<4x22528xf32, #tpu.memory_space<vmem>>, vector<1x22528xf32>,
    %mul3A_48 = arith.constant 5.000000e-01 : f32
    %mul3A_49 = vector.broadcast %mul3A_48 : f32 to vector<1x22528xf32>
    %mul3A_50 = arith.mulf %mul3A_49, %mul3A_41 : vector<1x22528xf32>
    %sub3A_51 = arith.subf %add3A_38, %mul3A_50 : vector<1x22528xf32>
    %swap3A_52 = arith.constant 1 : index
    %swap3A_53 = arith.constant 0 : index
    %swap3A_54 = vector.load %arg3[%swap3A_52, %swap3A_53] : memref<4x22528xf32, #tpu.memory_space<vmem>>, vector<1x22528xf32>
    tpu.vector_store %arg3[%swap3A_52, %swap3A_53], %sub3A_51 {strides = array<i32>} : memref<4x22528xf32, #tpu.memory_space<vmem>>, vector<1x22528xf32>,
    %mul3A_55 = arith.constant 5.000000e-01 : f32
    %mul3A_56 = vector.broadcast %mul3A_55 : f32 to vector<1x22528xf32>
    %mul3A_57 = arith.mulf %mul3A_56, %mul3A_39 : vector<1x22528xf32>
    %add3A_58 = arith.addf %add3A_36, %mul3A_57 : vector<1x22528xf32>
    %swap3A_59 = arith.constant 2 : index
    %swap3A_60 = arith.constant 0 : index
    %swap3A_61 = vector.load %arg3[%swap3A_59, %swap3A_60] : memref<4x22528xf32, #tpu.memory_space<vmem>>, vector<1x22528xf32>
    tpu.vector_store %arg3[%swap3A_59, %swap3A_60], %add3A_58 {strides = array<i32>} : memref<4x22528xf32, #tpu.memory_space<vmem>>, vector<1x22528xf32>,
    %mul3A_62 = arith.constant 5.000000e-01 : f32
    %mul3A_63 = vector.broadcast %mul3A_62 : f32 to vector<1x22528xf32>
    %mul3A_64 = arith.mulf %mul3A_63, %mul3A_41 : vector<1x22528xf32>
    %add3A_65 = arith.addf %add3A_38, %mul3A_64 : vector<1x22528xf32>
    %swap3A_66 = arith.constant 3 : index
    %swap3A_67 = arith.constant 0 : index
    %swap3A_68 = vector.load %arg3[%swap3A_66, %swap3A_67] : memref<4x22528xf32, #tpu.memory_space<vmem>>, vector<1x22528xf32>
    tpu.vector_store %arg3[%swap3A_66, %swap3A_67], %add3A_65 {strides = array<i32>} : memref<4x22528xf32, #tpu.memory_space<vmem>>, vector<1x22528xf32>,
    %get3A_69 = arith.constant 0 : index
    %get3A_70 = arith.constant 0 : index
    %get3A_71 = vector.load %arg2[%get3A_69, %get3A_70] : memref<1x22528xf32, #tpu.memory_space<vmem>>, vector<1x22528xf32>
    %logistic3A = arith.negf %get3A_71 : vector<1x22528xf32>
    %logistic3A_72 = math.exp %logistic3A : vector<1x22528xf32>
    %logistic3A_73 = arith.constant 1.000000e+00 : f32
    %logistic3A_74 = vector.broadcast %logistic3A_73 : f32 to vector<1x22528xf32>
    %logistic3A_75 = arith.addf %logistic3A_74, %logistic3A_72 : vector<1x22528xf32>
    %logistic3A_76 = arith.divf %logistic3A_74, %logistic3A_75 : vector<1x22528xf32>
    %swap3A_77 = arith.constant 0 : index
    %swap3A_78 = arith.constant 0 : index
    %swap3A_79 = vector.load %arg4[%swap3A_77, %swap3A_78] : memref<1x22528xf32, #tpu.memory_space<vmem>>, vector<1x22528xf32>
    tpu.vector_store %arg4[%swap3A_77, %swap3A_78], %logistic3A_76 {strides = array<i32>} : memref<1x22528xf32, #tpu.memory_space<vmem>>, vector<1x22528xf32>,
    return
  }
}

module attributes {stable_mosaic.version = 14 : i64} {
  func.func @_nms_blocked_body(%arg0: memref<10240x4xf32, #tpu.memory_space<vmem>>, %arg1: memref<4x10240xf32, #tpu.memory_space<vmem>>, %arg2: memref<10x1024xf32, #tpu.memory_space<vmem>>, %arg3: memref<10x1024xf32, #tpu.memory_space<vmem>>, %arg4: memref<1024x1024xf32, #tpu.memory_space<vmem>>) attributes {dimension_semantics = [], scalar_prefetch = 0 : i64, scratch_operands = 2 : i64, tpu.core_type = #tpu.core_type<tc>} {
    %scan3A = arith.constant 0 : i32
    %scan3A_0 = arith.constant 10 : i32
    %scan3A_1 = arith.addi %scan3A, %scan3A_0 : i32
    %scan3A_2 = arith.constant 1 : i32
    scf.for %scan3A_4 = %scan3A to %scan3A_1 step %scan3A_2  : i32 {
      %mul3A = arith.constant 1024 : i32
      %mul3A_5 = arith.muli %scan3A_4, %mul3A : i32
      %get3A = arith.index_cast %mul3A_5 : i32 to index
      %get3A_6 = arith.constant 0 : index
      %get3A_7 = vector.load %arg0[%get3A, %get3A_6] : memref<10240x4xf32, #tpu.memory_space<vmem>>, vector<1024x4xf32>
      %get3A_8 = arith.constant 0 : index
      %get3A_9 = arith.index_cast %mul3A_5 : i32 to index
      %get3A_10 = vector.load %arg1[%get3A_8, %get3A_9] : memref<4x10240xf32, #tpu.memory_space<vmem>>, vector<4x1024xf32>
      %broadcast_in_dim3A = arith.constant 0.000000e+00 : f32
      %broadcast_in_dim3A_11 = vector.broadcast %broadcast_in_dim3A : f32 to vector<1x1024xf32>
      %while3A = arith.constant 0 : i32
      %while3A_12 = arith.subi %scan3A_4, %while3A : i32
      %while3A_13 = arith.addi %while3A, %while3A_12 : i32
      %while3A_14 = arith.constant 1 : i32
      %while3A_15 = arith.divsi %while3A_12, %while3A_14 : i32
      %while3A_16 = arith.muli %while3A_15, %while3A_14 : i32
      %while3A_17 = arith.addi %while3A, %while3A_16 : i32
      %while3A_18 = arith.constant 1 : i32
      %while3A_19 = scf.for %while3A_88 = %while3A to %while3A_17 step %while3A_18 iter_args(%while3A_89 = %broadcast_in_dim3A_11) -> (vector<1x1024xf32>)  : i32 {
        %mul3A_90 = arith.constant 1024 : i32
        %mul3A_91 = arith.muli %while3A_88, %mul3A_90 : i32
        %get3A_92 = arith.index_cast %mul3A_91 : i32 to index
        %get3A_93 = arith.constant 0 : index
        %get3A_94 = vector.load %arg0[%get3A_92, %get3A_93] : memref<10240x4xf32, #tpu.memory_space<vmem>>, vector<1024x4xf32>
        %slice3A_95 = vector.extract_strided_slice %get3A_94 {offsets = [0, 0], sizes = [1024, 1], strides = [1, 1]} : vector<1024x4xf32> to vector<1024x1xf32>
        %slice3A_96 = vector.extract_strided_slice %get3A_94 {offsets = [0, 1], sizes = [1024, 1], strides = [1, 1]} : vector<1024x4xf32> to vector<1024x1xf32>
        %slice3A_97 = vector.extract_strided_slice %get3A_94 {offsets = [0, 2], sizes = [1024, 1], strides = [1, 1]} : vector<1024x4xf32> to vector<1024x1xf32>
        %slice3A_98 = vector.extract_strided_slice %get3A_94 {offsets = [0, 3], sizes = [1024, 1], strides = [1, 1]} : vector<1024x4xf32> to vector<1024x1xf32>
        %slice3A_99 = vector.extract_strided_slice %get3A_10 {offsets = [0, 0], sizes = [1, 1024], strides = [1, 1]} : vector<4x1024xf32> to vector<1x1024xf32>
        %slice3A_100 = vector.extract_strided_slice %get3A_10 {offsets = [1, 0], sizes = [1, 1024], strides = [1, 1]} : vector<4x1024xf32> to vector<1x1024xf32>
        %slice3A_101 = vector.extract_strided_slice %get3A_10 {offsets = [2, 0], sizes = [1, 1024], strides = [1, 1]} : vector<4x1024xf32> to vector<1x1024xf32>
        %slice3A_102 = vector.extract_strided_slice %get3A_10 {offsets = [3, 0], sizes = [1, 1024], strides = [1, 1]} : vector<4x1024xf32> to vector<1x1024xf32>
        %sub3A_103 = arith.subf %slice3A_97, %slice3A_95 : vector<1024x1xf32>
        %sub3A_104 = arith.subf %slice3A_98, %slice3A_96 : vector<1024x1xf32>
        %mul3A_105 = arith.mulf %sub3A_103, %sub3A_104 : vector<1024x1xf32>
        %sub3A_106 = arith.subf %slice3A_101, %slice3A_99 : vector<1x1024xf32>
        %sub3A_107 = arith.subf %slice3A_102, %slice3A_100 : vector<1x1024xf32>
        %mul3A_108 = arith.mulf %sub3A_106, %sub3A_107 : vector<1x1024xf32>
        %max3A_109 = vector.broadcast %slice3A_95 : vector<1024x1xf32> to vector<1024x1024xf32>
        %max3A_110 = vector.broadcast %slice3A_99 : vector<1x1024xf32> to vector<1024x1024xf32>
        %max3A_111 = arith.maximumf %max3A_109, %max3A_110 : vector<1024x1024xf32>
        %max3A_112 = vector.broadcast %slice3A_96 : vector<1024x1xf32> to vector<1024x1024xf32>
        %max3A_113 = vector.broadcast %slice3A_100 : vector<1x1024xf32> to vector<1024x1024xf32>
        %max3A_114 = arith.maximumf %max3A_112, %max3A_113 : vector<1024x1024xf32>
        %min3A_115 = vector.broadcast %slice3A_97 : vector<1024x1xf32> to vector<1024x1024xf32>
        %min3A_116 = vector.broadcast %slice3A_101 : vector<1x1024xf32> to vector<1024x1024xf32>
        %min3A_117 = arith.minimumf %min3A_115, %min3A_116 : vector<1024x1024xf32>
        %min3A_118 = vector.broadcast %slice3A_98 : vector<1024x1xf32> to vector<1024x1024xf32>
        %min3A_119 = vector.broadcast %slice3A_102 : vector<1x1024xf32> to vector<1024x1024xf32>
        %min3A_120 = arith.minimumf %min3A_118, %min3A_119 : vector<1024x1024xf32>
        %sub3A_121 = arith.subf %min3A_117, %max3A_111 : vector<1024x1024xf32>
        %max3A_122 = arith.constant 0.000000e+00 : f32
        %max3A_123 = vector.broadcast %max3A_122 : f32 to vector<1024x1024xf32>
        %max3A_124 = arith.maximumf %sub3A_121, %max3A_123 : vector<1024x1024xf32>
        %sub3A_125 = arith.subf %min3A_120, %max3A_114 : vector<1024x1024xf32>
        %max3A_126 = arith.constant 0.000000e+00 : f32
        %max3A_127 = vector.broadcast %max3A_126 : f32 to vector<1024x1024xf32>
        %max3A_128 = arith.maximumf %sub3A_125, %max3A_127 : vector<1024x1024xf32>
        %mul3A_129 = arith.mulf %max3A_124, %max3A_128 : vector<1024x1024xf32>
        %add3A_130 = vector.broadcast %mul3A_105 : vector<1024x1xf32> to vector<1024x1024xf32>
        %add3A_131 = vector.broadcast %mul3A_108 : vector<1x1024xf32> to vector<1024x1024xf32>
        %add3A_132 = arith.addf %add3A_130, %add3A_131 : vector<1024x1024xf32>
        %sub3A_133 = arith.subf %add3A_132, %mul3A_129 : vector<1024x1024xf32>
        %add3A_134 = arith.constant 9.99999971E-10 : f32
        %add3A_135 = vector.broadcast %add3A_134 : f32 to vector<1024x1024xf32>
        %add3A_136 = arith.addf %sub3A_133, %add3A_135 : vector<1024x1024xf32>
        %div3A_137 = arith.divf %mul3A_129, %add3A_136 : vector<1024x1024xf32>
        %gt3A_138 = arith.constant 0.699999988 : f32
        %gt3A_139 = vector.broadcast %gt3A_138 : f32 to vector<1024x1024xf32>
        %gt3A_140 = arith.cmpf ogt, %div3A_137, %gt3A_139 : vector<1024x1024xf32>
        %convert_element_type3A_141 = arith.extui %gt3A_140 : vector<1024x1024xi1> to vector<1024x1024xi32>
        %convert_element_type3A_142 = arith.sitofp %convert_element_type3A_141 : vector<1024x1024xi32> to vector<1024x1024xf32>
        %get3A_143 = arith.index_cast %while3A_88 : i32 to index
        %get3A_144 = arith.constant 0 : index
        %get3A_145 = vector.load %arg3[%get3A_143, %get3A_144] : memref<10x1024xf32, #tpu.memory_space<vmem>>, vector<1x1024xf32>
        %dot_general3A = arith.constant dense<0.000000e+00> : vector<1x1024xf32>
        %dot_general3A_146 = tpu.matmul %get3A_145, %convert_element_type3A_142, %dot_general3A {dimension_numbers = #tpu.dot_dimension_numbers<[1], [0], [0], [1], [0, 0, 1, 1], [], []>, transpose_lhs_hint = false} : vector<1x1024xf32>, vector<1024x1024xf32>, vector<1x1024xf32> -> vector<1x1024xf32>
        %add3A_147 = arith.addf %while3A_89, %dot_general3A_146 : vector<1x1024xf32>
        scf.yield %add3A_147 : vector<1x1024xf32>
      }
      %while3A_20 = arith.constant 1 : i32
      %while3A_21 = scf.for %while3A_88 = %while3A_17 to %while3A_13 step %while3A_20 iter_args(%while3A_89 = %while3A_19) -> (vector<1x1024xf32>)  : i32 {
        %mul3A_90 = arith.constant 1024 : i32
        %mul3A_91 = arith.muli %while3A_88, %mul3A_90 : i32
        %get3A_92 = arith.index_cast %mul3A_91 : i32 to index
        %get3A_93 = arith.constant 0 : index
        %get3A_94 = vector.load %arg0[%get3A_92, %get3A_93] : memref<10240x4xf32, #tpu.memory_space<vmem>>, vector<1024x4xf32>
        %slice3A_95 = vector.extract_strided_slice %get3A_94 {offsets = [0, 0], sizes = [1024, 1], strides = [1, 1]} : vector<1024x4xf32> to vector<1024x1xf32>
        %slice3A_96 = vector.extract_strided_slice %get3A_94 {offsets = [0, 1], sizes = [1024, 1], strides = [1, 1]} : vector<1024x4xf32> to vector<1024x1xf32>
        %slice3A_97 = vector.extract_strided_slice %get3A_94 {offsets = [0, 2], sizes = [1024, 1], strides = [1, 1]} : vector<1024x4xf32> to vector<1024x1xf32>
        %slice3A_98 = vector.extract_strided_slice %get3A_94 {offsets = [0, 3], sizes = [1024, 1], strides = [1, 1]} : vector<1024x4xf32> to vector<1024x1xf32>
        %slice3A_99 = vector.extract_strided_slice %get3A_10 {offsets = [0, 0], sizes = [1, 1024], strides = [1, 1]} : vector<4x1024xf32> to vector<1x1024xf32>
        %slice3A_100 = vector.extract_strided_slice %get3A_10 {offsets = [1, 0], sizes = [1, 1024], strides = [1, 1]} : vector<4x1024xf32> to vector<1x1024xf32>
        %slice3A_101 = vector.extract_strided_slice %get3A_10 {offsets = [2, 0], sizes = [1, 1024], strides = [1, 1]} : vector<4x1024xf32> to vector<1x1024xf32>
        %slice3A_102 = vector.extract_strided_slice %get3A_10 {offsets = [3, 0], sizes = [1, 1024], strides = [1, 1]} : vector<4x1024xf32> to vector<1x1024xf32>
        %sub3A_103 = arith.subf %slice3A_97, %slice3A_95 : vector<1024x1xf32>
        %sub3A_104 = arith.subf %slice3A_98, %slice3A_96 : vector<1024x1xf32>
        %mul3A_105 = arith.mulf %sub3A_103, %sub3A_104 : vector<1024x1xf32>
        %sub3A_106 = arith.subf %slice3A_101, %slice3A_99 : vector<1x1024xf32>
        %sub3A_107 = arith.subf %slice3A_102, %slice3A_100 : vector<1x1024xf32>
        %mul3A_108 = arith.mulf %sub3A_106, %sub3A_107 : vector<1x1024xf32>
        %max3A_109 = vector.broadcast %slice3A_95 : vector<1024x1xf32> to vector<1024x1024xf32>
        %max3A_110 = vector.broadcast %slice3A_99 : vector<1x1024xf32> to vector<1024x1024xf32>
        %max3A_111 = arith.maximumf %max3A_109, %max3A_110 : vector<1024x1024xf32>
        %max3A_112 = vector.broadcast %slice3A_96 : vector<1024x1xf32> to vector<1024x1024xf32>
        %max3A_113 = vector.broadcast %slice3A_100 : vector<1x1024xf32> to vector<1024x1024xf32>
        %max3A_114 = arith.maximumf %max3A_112, %max3A_113 : vector<1024x1024xf32>
        %min3A_115 = vector.broadcast %slice3A_97 : vector<1024x1xf32> to vector<1024x1024xf32>
        %min3A_116 = vector.broadcast %slice3A_101 : vector<1x1024xf32> to vector<1024x1024xf32>
        %min3A_117 = arith.minimumf %min3A_115, %min3A_116 : vector<1024x1024xf32>
        %min3A_118 = vector.broadcast %slice3A_98 : vector<1024x1xf32> to vector<1024x1024xf32>
        %min3A_119 = vector.broadcast %slice3A_102 : vector<1x1024xf32> to vector<1024x1024xf32>
        %min3A_120 = arith.minimumf %min3A_118, %min3A_119 : vector<1024x1024xf32>
        %sub3A_121 = arith.subf %min3A_117, %max3A_111 : vector<1024x1024xf32>
        %max3A_122 = arith.constant 0.000000e+00 : f32
        %max3A_123 = vector.broadcast %max3A_122 : f32 to vector<1024x1024xf32>
        %max3A_124 = arith.maximumf %sub3A_121, %max3A_123 : vector<1024x1024xf32>
        %sub3A_125 = arith.subf %min3A_120, %max3A_114 : vector<1024x1024xf32>
        %max3A_126 = arith.constant 0.000000e+00 : f32
        %max3A_127 = vector.broadcast %max3A_126 : f32 to vector<1024x1024xf32>
        %max3A_128 = arith.maximumf %sub3A_125, %max3A_127 : vector<1024x1024xf32>
        %mul3A_129 = arith.mulf %max3A_124, %max3A_128 : vector<1024x1024xf32>
        %add3A_130 = vector.broadcast %mul3A_105 : vector<1024x1xf32> to vector<1024x1024xf32>
        %add3A_131 = vector.broadcast %mul3A_108 : vector<1x1024xf32> to vector<1024x1024xf32>
        %add3A_132 = arith.addf %add3A_130, %add3A_131 : vector<1024x1024xf32>
        %sub3A_133 = arith.subf %add3A_132, %mul3A_129 : vector<1024x1024xf32>
        %add3A_134 = arith.constant 9.99999971E-10 : f32
        %add3A_135 = vector.broadcast %add3A_134 : f32 to vector<1024x1024xf32>
        %add3A_136 = arith.addf %sub3A_133, %add3A_135 : vector<1024x1024xf32>
        %div3A_137 = arith.divf %mul3A_129, %add3A_136 : vector<1024x1024xf32>
        %gt3A_138 = arith.constant 0.699999988 : f32
        %gt3A_139 = vector.broadcast %gt3A_138 : f32 to vector<1024x1024xf32>
        %gt3A_140 = arith.cmpf ogt, %div3A_137, %gt3A_139 : vector<1024x1024xf32>
        %convert_element_type3A_141 = arith.extui %gt3A_140 : vector<1024x1024xi1> to vector<1024x1024xi32>
        %convert_element_type3A_142 = arith.sitofp %convert_element_type3A_141 : vector<1024x1024xi32> to vector<1024x1024xf32>
        %get3A_143 = arith.index_cast %while3A_88 : i32 to index
        %get3A_144 = arith.constant 0 : index
        %get3A_145 = vector.load %arg3[%get3A_143, %get3A_144] : memref<10x1024xf32, #tpu.memory_space<vmem>>, vector<1x1024xf32>
        %dot_general3A = arith.constant dense<0.000000e+00> : vector<1x1024xf32>
        %dot_general3A_146 = tpu.matmul %get3A_145, %convert_element_type3A_142, %dot_general3A {dimension_numbers = #tpu.dot_dimension_numbers<[1], [0], [0], [1], [0, 0, 1, 1], [], []>, transpose_lhs_hint = false} : vector<1x1024xf32>, vector<1024x1024xf32>, vector<1x1024xf32> -> vector<1x1024xf32>
        %add3A_147 = arith.addf %while3A_89, %dot_general3A_146 : vector<1x1024xf32>
        scf.yield %add3A_147 : vector<1x1024xf32>
      }
      %gt3A = arith.constant 0.000000e+00 : f32
      %gt3A_22 = vector.broadcast %gt3A : f32 to vector<1x1024xf32>
      %gt3A_23 = arith.cmpf ogt, %while3A_21, %gt3A_22 : vector<1x1024xf32>
      %convert_element_type3A = arith.extui %gt3A_23 : vector<1x1024xi1> to vector<1x1024xi32>
      %convert_element_type3A_24 = arith.sitofp %convert_element_type3A : vector<1x1024xi32> to vector<1x1024xf32>
      %slice3A = vector.extract_strided_slice %get3A_7 {offsets = [0, 0], sizes = [1024, 1], strides = [1, 1]} : vector<1024x4xf32> to vector<1024x1xf32>
      %slice3A_25 = vector.extract_strided_slice %get3A_7 {offsets = [0, 1], sizes = [1024, 1], strides = [1, 1]} : vector<1024x4xf32> to vector<1024x1xf32>
      %slice3A_26 = vector.extract_strided_slice %get3A_7 {offsets = [0, 2], sizes = [1024, 1], strides = [1, 1]} : vector<1024x4xf32> to vector<1024x1xf32>
      %slice3A_27 = vector.extract_strided_slice %get3A_7 {offsets = [0, 3], sizes = [1024, 1], strides = [1, 1]} : vector<1024x4xf32> to vector<1024x1xf32>
      %slice3A_28 = vector.extract_strided_slice %get3A_10 {offsets = [0, 0], sizes = [1, 1024], strides = [1, 1]} : vector<4x1024xf32> to vector<1x1024xf32>
      %slice3A_29 = vector.extract_strided_slice %get3A_10 {offsets = [1, 0], sizes = [1, 1024], strides = [1, 1]} : vector<4x1024xf32> to vector<1x1024xf32>
      %slice3A_30 = vector.extract_strided_slice %get3A_10 {offsets = [2, 0], sizes = [1, 1024], strides = [1, 1]} : vector<4x1024xf32> to vector<1x1024xf32>
      %slice3A_31 = vector.extract_strided_slice %get3A_10 {offsets = [3, 0], sizes = [1, 1024], strides = [1, 1]} : vector<4x1024xf32> to vector<1x1024xf32>
      %sub3A = arith.subf %slice3A_26, %slice3A : vector<1024x1xf32>
      %sub3A_32 = arith.subf %slice3A_27, %slice3A_25 : vector<1024x1xf32>
      %mul3A_33 = arith.mulf %sub3A, %sub3A_32 : vector<1024x1xf32>
      %sub3A_34 = arith.subf %slice3A_30, %slice3A_28 : vector<1x1024xf32>
      %sub3A_35 = arith.subf %slice3A_31, %slice3A_29 : vector<1x1024xf32>
      %mul3A_36 = arith.mulf %sub3A_34, %sub3A_35 : vector<1x1024xf32>
      %max3A = vector.broadcast %slice3A : vector<1024x1xf32> to vector<1024x1024xf32>
      %max3A_37 = vector.broadcast %slice3A_28 : vector<1x1024xf32> to vector<1024x1024xf32>
      %max3A_38 = arith.maximumf %max3A, %max3A_37 : vector<1024x1024xf32>
      %max3A_39 = vector.broadcast %slice3A_25 : vector<1024x1xf32> to vector<1024x1024xf32>
      %max3A_40 = vector.broadcast %slice3A_29 : vector<1x1024xf32> to vector<1024x1024xf32>
      %max3A_41 = arith.maximumf %max3A_39, %max3A_40 : vector<1024x1024xf32>
      %min3A = vector.broadcast %slice3A_26 : vector<1024x1xf32> to vector<1024x1024xf32>
      %min3A_42 = vector.broadcast %slice3A_30 : vector<1x1024xf32> to vector<1024x1024xf32>
      %min3A_43 = arith.minimumf %min3A, %min3A_42 : vector<1024x1024xf32>
      %min3A_44 = vector.broadcast %slice3A_27 : vector<1024x1xf32> to vector<1024x1024xf32>
      %min3A_45 = vector.broadcast %slice3A_31 : vector<1x1024xf32> to vector<1024x1024xf32>
      %min3A_46 = arith.minimumf %min3A_44, %min3A_45 : vector<1024x1024xf32>
      %sub3A_47 = arith.subf %min3A_43, %max3A_38 : vector<1024x1024xf32>
      %max3A_48 = arith.constant 0.000000e+00 : f32
      %max3A_49 = vector.broadcast %max3A_48 : f32 to vector<1024x1024xf32>
      %max3A_50 = arith.maximumf %sub3A_47, %max3A_49 : vector<1024x1024xf32>
      %sub3A_51 = arith.subf %min3A_46, %max3A_41 : vector<1024x1024xf32>
      %max3A_52 = arith.constant 0.000000e+00 : f32
      %max3A_53 = vector.broadcast %max3A_52 : f32 to vector<1024x1024xf32>
      %max3A_54 = arith.maximumf %sub3A_51, %max3A_53 : vector<1024x1024xf32>
      %mul3A_55 = arith.mulf %max3A_50, %max3A_54 : vector<1024x1024xf32>
      %add3A = vector.broadcast %mul3A_33 : vector<1024x1xf32> to vector<1024x1024xf32>
      %add3A_56 = vector.broadcast %mul3A_36 : vector<1x1024xf32> to vector<1024x1024xf32>
      %add3A_57 = arith.addf %add3A, %add3A_56 : vector<1024x1024xf32>
      %sub3A_58 = arith.subf %add3A_57, %mul3A_55 : vector<1024x1024xf32>
      %add3A_59 = arith.constant 9.99999971E-10 : f32
      %add3A_60 = vector.broadcast %add3A_59 : f32 to vector<1024x1024xf32>
      %add3A_61 = arith.addf %sub3A_58, %add3A_60 : vector<1024x1024xf32>
      %div3A = arith.divf %mul3A_55, %add3A_61 : vector<1024x1024xf32>
      %gt3A_62 = arith.constant 0.699999988 : f32
      %gt3A_63 = vector.broadcast %gt3A_62 : f32 to vector<1024x1024xf32>
      %gt3A_64 = arith.cmpf ogt, %div3A, %gt3A_63 : vector<1024x1024xf32>
      %convert_element_type3A_65 = arith.extui %gt3A_64 : vector<1024x1024xi1> to vector<1024x1024xi32>
      %convert_element_type3A_66 = arith.sitofp %convert_element_type3A_65 : vector<1024x1024xi32> to vector<1024x1024xf32>
      %iota3A = tpu.iota {dimensions = array<i32: 0>} : vector<1024x1024xi32>
      %iota3A_67 = tpu.iota {dimensions = array<i32: 1>} : vector<1024x1024xi32>
      %gt3A_68 = arith.cmpi sgt, %iota3A_67, %iota3A : vector<1024x1024xi32>
      %jit3A = arith.constant 0.000000e+00 : f32
      %broadcast_in_dim3A_69 = vector.broadcast %jit3A : f32 to vector<1024x1024xf32>
      %select_n3A = arith.select %gt3A_68, %convert_element_type3A_66, %broadcast_in_dim3A_69 : vector<1024x1024xi1>, vector<1024x1024xf32>
      %swap3A = arith.constant 0 : index
      %swap3A_70 = arith.constant 0 : index
      %swap3A_71 = vector.load %arg4[%swap3A, %swap3A_70] : memref<1024x1024xf32, #tpu.memory_space<vmem>>, vector<1024x1024xf32>
      tpu.vector_store %arg4[%swap3A, %swap3A_70], %select_n3A {strides = array<i32>} : memref<1024x1024xf32, #tpu.memory_space<vmem>>, vector<1024x1024xf32>,
      %iota3A_72 = tpu.iota {dimensions = array<i32: 1>} : vector<1x1024xi32>
      %scan3A_73 = arith.constant 0 : i32
      %scan3A_74 = arith.constant 1024 : i32
      %scan3A_75 = arith.addi %scan3A_73, %scan3A_74 : i32
      %scan3A_76 = arith.constant 1 : i32
      %scan3A_77 = scf.for %scan3A_88 = %scan3A_73 to %scan3A_75 step %scan3A_76 iter_args(%scan3A_89 = %convert_element_type3A_24) -> (vector<1x1024xf32>)  : i32 {
        %eq3A = vector.broadcast %scan3A_88 : i32 to vector<1x1024xi32>
        %eq3A_90 = arith.cmpi eq, %iota3A_72, %eq3A : vector<1x1024xi32>
        %jit3A_91 = arith.constant 0.000000e+00 : f32
        %broadcast_in_dim3A_92 = vector.broadcast %jit3A_91 : f32 to vector<1x1024xf32>
        %select_n3A_93 = arith.select %eq3A_90, %scan3A_89, %broadcast_in_dim3A_92 : vector<1x1024xi1>, vector<1x1024xf32>
        %reduce_sum3A = arith.constant dense<0.000000e+00> : vector<1xf32>
        %reduce_sum3A_94 = vector.multi_reduction <add>, %select_n3A_93, %reduce_sum3A [1] : vector<1x1024xf32> to vector<1xf32>
        %broadcast_in_dim3A_95 = vector.shape_cast %reduce_sum3A_94 : vector<1xf32> to vector<1x1xf32>
        %get3A_96 = arith.index_cast %scan3A_88 : i32 to index
        %get3A_97 = arith.constant 0 : index
        %get3A_98 = vector.load %arg4[%get3A_96, %get3A_97] : memref<1024x1024xf32, #tpu.memory_space<vmem>>, vector<1x1024xf32>
        %sub3A_99 = arith.constant 1.000000e+00 : f32
        %sub3A_100 = vector.broadcast %sub3A_99 : f32 to vector<1x1xf32>
        %sub3A_101 = arith.subf %sub3A_100, %broadcast_in_dim3A_95 : vector<1x1xf32>
        %mul3A_102 = vector.broadcast %sub3A_101 : vector<1x1xf32> to vector<1x1024xf32>
        %mul3A_103 = arith.mulf %get3A_98, %mul3A_102 : vector<1x1024xf32>
        %max3A_104 = arith.maximumf %scan3A_89, %mul3A_103 : vector<1x1024xf32>
        scf.yield %max3A_104 : vector<1x1024xf32>
      }
      %scan3A_78 = arith.constant 1024 : i32
      %sub3A_79 = arith.constant 1.000000e+00 : f32
      %sub3A_80 = vector.broadcast %sub3A_79 : f32 to vector<1x1024xf32>
      %sub3A_81 = arith.subf %sub3A_80, %scan3A_77 : vector<1x1024xf32>
      %swap3A_82 = arith.index_cast %scan3A_4 : i32 to index
      %swap3A_83 = arith.constant 0 : index
      %swap3A_84 = vector.load %arg3[%swap3A_82, %swap3A_83] : memref<10x1024xf32, #tpu.memory_space<vmem>>, vector<1x1024xf32>
      tpu.vector_store %arg3[%swap3A_82, %swap3A_83], %sub3A_81 {strides = array<i32>} : memref<10x1024xf32, #tpu.memory_space<vmem>>, vector<1x1024xf32>,
      %swap3A_85 = arith.index_cast %scan3A_4 : i32 to index
      %swap3A_86 = arith.constant 0 : index
      %swap3A_87 = vector.load %arg2[%swap3A_85, %swap3A_86] : memref<10x1024xf32, #tpu.memory_space<vmem>>, vector<1x1024xf32>
      tpu.vector_store %arg2[%swap3A_85, %swap3A_86], %scan3A_77 {strides = array<i32>} : memref<10x1024xf32, #tpu.memory_space<vmem>>, vector<1x1024xf32>,
    }
    %scan3A_3 = arith.constant 10 : i32
    return
  }
}

</mosaic_0001>

<sc_bundles>
// kernel: gather_offload_async_start.1
scs
__scs_entry_jumppad:
0x0: {  	(pc) =	sbr.rel $0x88, $3  }
0x1: {  	(tag) =	ssettag $0x0;
	lr =	simm.s32 $0x1  }
0x2: {  	[smem:$0x3F9A] =	sst lr;
	_ =	strace $0xD0000000  }
0x3: {  	_ = 	snop  }
0x4: {  	_ = 	snop  }
0x5: {  	_ = 	snop  }
0x6: {  	_ = 	snop  }
0x7: {  	_ = 	snop  }
__scs_overlays_trampoline_lowered:
0x8: {  	[smem:$0x3FA9] =	sst s0  }
0x9: {  	[smem:$0x3FAA] =	sst s1  }
0xa: {  	[smem:$0x3FAB] =	sst s2  }
0xb: {  	[smem:$0x3FAC] =	sst s3  }
0xc: {  	[smem:$0x3FAD] =	sst s4  }
0xd: {  	[smem:$0x3FAE] =	sst s5  }
0xe: {  	[smem:$0x3FAF] =	sst s6  }
0xf: {  	[smem:$0x3FB0] =	sst s7  }
0x10: {  	[smem:$0x3FB1] =	sst s8  }
0x11: {  	[smem:$0x3FB2] =	sst s9;
	s0 =	simm.s32 @!p0 $0x0  }
0x12: {  	s1 =	sld [smem:$0x3F98];
	s0 =	simm.s32 @p0 $0x1  }
0x13: {  	[smem:$0x3FB3] =	sst s0;
	s0 =	simm.s32 @!p1 $0x0  }
0x14: {  	s2 =	sld [smem:$0x3F97];
	s0 =	simm.s32 @p1 $0x1  }
0x15: {  	[smem:$0x3FB4] =	sst s0;
	s0 =	simm.s32 @!p2 $0x0  }
0x16: {  	s3 =	sld [smem:$0x3FDB];
	s0 =	simm.s32 @p2 $0x1  }
0x17: {  	s4 =	simm.s32 $0x1BF5;
	[smem:$0x3FB6] =	sst s0  }
0x18: {  	s0 =	sld [smem:$0x3F99];
	_ =	swait.ge [sflag:s4], $0x0  }
0x19: {  	s7 =	sld [smem:$0x3F9A]  }
0x1a: {  	s8 =	sadd.s32 $0xFFFFE003, lr  }
0x1b: {  	s9 =	sadd.s32 $0xFFFFFEF7, lr;
	s5 =	simm.s32 $0xFFFFFFFF;
	p2 =	slt.u32 s8, $0xFFFFF086  }
0x1c: {  	p1 =	slt.u32 s9, $0xF7A;
	s5 =	simm.s32 @!p2 $0x0  }
0x1d: {  	s5 =	simm.s32 @p1 $0x1;
	p0 =	seq.s32 s7, s2  }
0x1e: {  	s7 =	smul.u32 @!p0 $0xF7A, s2;
	p2 =	seq.s32 @!p0 s5, $0x0  }
0x1f: {  	s9 =	smul.u32 $0xF7A, s1;
	s8 =	simm.s32 @!p0 $0x1BF5;
	p2 =	por !p2, p0  }
0x20: {  	[sflag:s8] =	ssyncset.s32 @!p0 $0xFFFFF086;
	s6 =	sadd.s32 @!p0 s3, s7;
	s7 =	simm.s32 @!p0 $0x108  }
0x21: {  	s3 =	sadd.s32 s3, s9;
	s6 =	sadd.s32 @!p0 $0x88, s6;
	s7 =	simm.s32 @p2 $0x1082  }
0x22: {  	[simem:s7], [sflag:s8] =	dma.local @!p0 [hbm:s6], $0xF7A  }
0x23: {  	s9 =	sor.u32 $0xD0000000, s2;
	s6 =	simm.s32 $0x108;
	_ =	swait.ge @!p0 [sflag:s8], $0x0  }
0x24: {  	s3 =	sadd.s32 $0x88, s3;
	s6 =	simm.s32 @!p1 $0x1082;
	[sflag:s4] =	ssyncset.s32 $0xFFFFF086  }
0x25: {  	[simem:s6], [sflag:s4] =	dma.local [hbm:s3], $0xF7A  }
0x26: {  	[smem:$0x3F9A] =	sst s1;
	(tag) =	ssettag s2;
	_ =	strace s9  }
0x27: {  	s1 =	sld [smem:$0x3FAA]  }
0x28: {  	s2 =	sld [smem:$0x3FAB]  }
0x29: {  	s4 =	sld [smem:$0x3FAD]  }
0x2a: {  	p0 =	seq.s32 s5, $0x0;
	s5 =	sld [smem:$0x3FAE]  }
0x2b: {  	s6 =	sld [smem:$0x3FAF]  }
0x2c: {  	s7 =	sld [smem:$0x3FB0]  }
0x2d: {  	s3 =	simm.s32 $0x108;
	s8 =	sld [smem:$0x3FB1]  }
0x2e: {  	s3 =	simm.s32 @!p0 $0x1082;
	s9 =	sld [smem:$0x3FB2]  }
0x2f: {  	lr =	sadd.s32 s0, s3;
	s0 =	sld [smem:$0x3FA9]  }
0x30: {  	s3 =	sld [smem:$0x3FAC]  }
0x31: {  	[smem:$0x3FB5] =	sst s10  }
0x32: {  	s10 =	sld [smem:$0x3FB3];
	_ =	sdelay $0x3  }
0x33: {  	p0 =	seq.s32 s10, $0x1;
	s10 =	sld [smem:$0x3FB5];
	_ =	sdelay $0x3  }
0x34: {  	[smem:$0x3FB5] =	sst s10  }
0x35: {  	s10 =	sld [smem:$0x3FB4];
	_ =	sdelay $0x3  }
0x36: {  	p1 =	seq.s32 s10, $0x1;
	s10 =	sld [smem:$0x3FB5];
	_ =	sdelay $0x3  }
0x37: {  	[smem:$0x3FB5] =	sst s10  }
0x38: {  	s10 =	sld [smem:$0x3FB6]  }
0x39: {  	_ = 	snop;
	(pc) =	sbr.ind lr, $3  }
0x3a: {  	_ = 	snop  }
0x3b: {  	_ = 	snop  }
0x3c: {  	p2 =	seq.s32 s10, $0x1;
	s10 =	sld [smem:$0x3FB5]  }
0x3d: {  	_ =	shalt  }
0x3e: {  	_ =	shalt  }
0x3f: {  	_ =	shalt  }
0x40: {  	_ =	shalt  }
0x41: {  	_ =	shalt  }
0x42: {  	_ =	shalt  }
0x43: {  	_ =	shalt  }
0x44: {  	_ =	shalt  }
0x45: {  	_ =	shalt  }
0x46: {  	_ =	shalt  }
0x47: {  	_ =	shalt  }
0x48: {  	_ =	shalt  }
0x49: {  	_ =	shalt  }
0x4a: {  	_ =	shalt  }
0x4b: {  	_ =	shalt  }
0x4c: {  	_ =	shalt  }
0x4d: {  	_ =	shalt  }
0x4e: {  	_ =	shalt  }
0x4f: {  	_ =	shalt  }
0x50: {  	_ =	shalt  }
0x51: {  	_ =	shalt  }
0x52: {  	_ =	shalt  }
0x53: {  	_ =	shalt  }
0x54: {  	_ =	shalt  }
0x55: {  	_ =	shalt  }
0x56: {  	_ =	shalt  }
0x57: {  	_ =	shalt  }
0x58: {  	_ =	shalt  }
0x59: {  	_ =	shalt  }
0x5a: {  	_ =	shalt  }
0x5b: {  	_ =	shalt  }
0x5c: {  	_ =	shalt  }
0x5d: {  	_ =	shalt  }
0x5e: {  	_ =	shalt  }
0x5f: {  	_ =	shalt  }
0x60: {  	_ =	shalt  }
0x61: {  	_ =	shalt  }
0x62: {  	_ =	shalt  }
0x63: {  	_ =	shalt  }
0x64: {  	_ =	shalt  }
0x65: {  	_ =	shalt  }
0x66: {  	_ =	shalt  }
0x67: {  	_ =	shalt  }
0x68: {  	_ =	shalt  }
0x69: {  	_ =	shalt  }
0x6a: {  	_ =	shalt  }
0x6b: {  	_ =	shalt  }
0x6c: {  	_ =	shalt  }
0x6d: {  	_ =	shalt  }
0x6e: {  	_ =	shalt  }
0x6f: {  	_ =	shalt  }
0x70: {  	_ =	shalt  }
0x71: {  	_ =	shalt  }
0x72: {  	_ =	shalt  }
0x73: {  	_ =	shalt  }
0x74: {  	_ =	shalt  }
0x75: {  	_ =	shalt  }
0x76: {  	_ =	shalt  }
0x77: {  	_ =	shalt  }
0x78: {  	_ =	shalt  }
0x79: {  	_ =	shalt  }
0x7a: {  	_ =	shalt  }
0x7b: {  	_ =	shalt  }
0x7c: {  	_ =	shalt  }
0x7d: {  	_ =	shalt  }
0x7e: {  	_ =	shalt  }
0x7f: {  	_ =	shalt  }
0x80: {  	_ =	shalt  }
0x81: {  	_ =	shalt  }
0x82: {  	_ =	shalt  }
0x83: {  	_ =	shalt  }
0x84: {  	_ =	shalt  }
0x85: {  	_ =	shalt  }
0x86: {  	_ =	shalt  }
0x87: {  	_ =	shalt  }
.Lfunc_end0:
.L_simem_size_0:
called_computation.1_lowered:
.L_overlay_start_0:
0x88: {  	s0 =	sld [smem:$0x3FD9]  }
0x89: {  	s1 =	sld [smem:$0x3FFE];
	_ =	sdelay $0x3  }
0x8a: {  	s0 =	sadd.s32 s1, s0  }
0x8b: {  	[smem:$0x3FC1] =	sst s0  }
0x8c: {  	_ = 	snop  }
0x8d: {  	s0 =	sld [smem:$0x3FD0];
	_ =	sdelay $0x2  }
0x8e: {  	s13 =	simm.s32 $0xA;
	s2 =	simm.s32 $0x10  }
0x8f: {  	[smem:s2], [sflag:s13] =	dma.local [hbm:s0], $0x1  }
0x90: {  	_ =	swait.eq [sflag:s13], $0x1  }
0x91: {  	[sflag:s13] =	ssyncset.done $0x0  }
0x92: {  	[sflag:s13] =	ssyncadd.s32 $0xFFFFFFFF  }
0x93: {  	s14 =	sld [smem:$0x10];
	(tm) =	ssettm $0x1  }
0x94: {  	s15 =	sld [smem:$0x3FFB];
	_ =	sdelay $0x3  }
0x95: {  	_ =	strace s15  }
0x96: {  	s1 =	sld [smem:$0x3FFC];
	_ =	sdelay $0x3  }
0x97: {  	_ =	strace s1  }
0x98: {  	s1 =	sld [smem:$0x3FFD];
	_ =	sdelay $0x3  }
0x99: {  	_ =	strace s1  }
0x9a: {  	_ =	strace $0x8FFFFFFF  }
0x9b: {  	s16 =	sld [smem:$0x3FDB];
	_ =	sdelay $0x1  }
0x9c: {  	s17 =	simm.s32 $_scs_section_size  }
0x9d: {  	s3 =	simm.s32 $_size__tile_overlayer_lowered;
	s4 =	simm.s32 $_tile_overlayer_lowered  }
0x9e: {  	s20 =	simm.s32 $0x1BFF;
	s19 =	sshll.u32 s4, $0x1;
	s1 =	sadd.s32 s17, s16  }
0x9f: {  	s5 =	simm.s32 $0x0;
	s18 =	sshll.u32 s3, $0x1;
	s3 =	sadd.s32 s19, s1  }
0xa0: {  	[timem:s5], [sflag:s20] =	dma.local [hbm:s3], s18  }
0xa1: {  	_ =	swait.ge [sflag:s20], s18  }
0xa2: {  	s2 =	ssub.s32 $0x0, s18;
	[sflag:s20] =	ssyncset.done $0x0  }
0xa3: {  	[sflag:s20] =	ssyncadd.s32 s2;
	_ =	sdelay $0x1  }
0xa4: {  	s21 =	simm.s32 $0x1B8B  }
0xa5: {  	_ =	swait.ge [sflag:s21], $0x1  }
0xa6: {  	[sflag:s21] =	ssyncset.done $0x0  }
0xa7: {  	s23 =	simm.s32 $0x1B8E;
	s22 =	sld [smem:$0x3FFE];
	[sflag:s21] =	ssyncadd.s32 $0xFFFFFFFF  }
0xa8: {  	s24 =	simm.s32 $execute0_lowered;
	[smem:$0x3FD2] =	sst s23  }
0xa9: {  	s3 =	sshll.u32 s24, $0x1;
	_ =	strace $0x80000049;
	[dreg:$0x1] =	wrdreg $0xFFFFFFFF  }
0xaa: {  	s25 =	simm.s32 $_size_execute0_lowered;
	s1 =	sadd.s32 s1, s3;
	[dreg:$0x0] =	wrdreg $0x0  }
0xab: {  	s3 =	sshll.u32 s25, $0x1;
	[dreg:$0x2] =	wrdreg s1  }
0xac: {  	[dreg:$0x3] =	wrdreg s3  }
0xad: {  	[dreg:$0x4] =	wrdreg $0xC0  }
0xae: {  	_ =	task [dreg:s5], $0x5FFFF  }
0xaf: {  	[dreg:$0x1] =	wrdreg $0xFFFFFFFF  }
0xb0: {  	[dreg:$0x0] =	wrdreg $0x60  }
0xb1: {  	[dreg:$0x2] =	wrdreg s22  }
0xb2: {  	[dreg:$0x3] =	wrdreg s14  }
0xb3: {  	[dreg:$0x4] =	wrdreg $0x9  }
0xb4: {  	_ =	task.clear_ibuf [dreg:s5], $0x5FFFF;
	_ =	strace $0x90000049  }
0xb5: {  	s26 =	simm.s32 $0x9;
	_ =	strace $0x8000004B  }
0xb6: {  	_ =	swait.ge [sflag:s26], $0x1  }
0xb7: {  	[sflag:s26] =	ssyncadd.s32 $0xFFFFFFFF  }
0xb8: {  	_ =	strace $0x9000004B  }
0xb9: {  	_ =	sfence  }
0xba: {  	s28 =	sld [smem:$0x0];
	_ =	sdelay $0x1  }
0xbb: {  	s29 =	srdreg.scid  }
0xbc: {  	s30 =	sshll.u32 s29, $0xD;
	s31 =	sshrl.u32 s29, $0x2  }
0xbd: {  	s2 =	sand.u32 $0x4000, s30;
	s1 =	sand.u32 $0x1, s29;
	s0 =	sadd.s32 s31, s28  }
0xbe: {  	s1 =	sor.u32 s2, s1;
	s0 =	sshll.u32 s0, $0x11  }
0xbf: {  	s0 =	sor.u32 s0, s1  }
0xc0: {  	s0 =	sadd.s32 $0x8F2B, s0  }
0xc1: {  	[sflag:s0] =	ssyncadd.remote.s32 $0x1  }
0xc2: {  	_ =	sfence.sel $0xFFFF  }
0xc3: {  	[dreg:$0x0] =	wrdreg $0xFFFFFFFF;
	(pc) =	sbr.abs _section_cstart, $3  }
0xc4: {  	[dreg:$0x1] =	wrdreg $0xFFFFFFFF  }
0xc5: {  	_ =	task.clear_ibuf [dreg:s5], $0x2FFFF;
	_ =	strace $0x9FFFFFFF  }
0xc6: {  	(tm) =	ssettm $0x7FFFFFFF  }
0xc7: {  	_ =	shalt  }
tec
execute0_lowered:
.L_overlay_start_1:
0x0: {  	(tag) =	ssettag $0x1  }
0x1: {  	s0 =	stileid.u32  }
0x2: {  	s1 =	smin.u32 s0, $0x9  }
0x3: {  	s1 =	sadd.s32 s0, s1  }
0x4: {  	s2 =	simm.s32 $0xA0;
	p0 =	slt.u32 s0, $0x9;
	s1 =	smul.u32 $0x50, s1  }
0x5: {  	s2 =	simm.s32 @!p0 $0x50  }
0x6: {  	s2 =	sadd.s32 s2, s1  }
0x7: {  	s3 =	smin.u32 s2, $0x7D0  }
0x8: {  	s7 =	ssub.s32 s3, s1  }
0x9: {  	p0 =	sgt.s32 s7, $0x0  }
0xa: {  	s7 =	simm.s32 @!p0 $0x0  }
0xb: {  	s4 =	rddreg [dreg:$0x0];
	s31 =	smul.u32 $0xCCCD, s7  }
0xc: {  	s5 =	rddreg [dreg:$0x1]  }
0xd: {  	s6 =	simm.s32 $0x1;
	s10 =	simm.s32 $0x3;
	s8 =	sshrl.u32 s31, $0x16  }
0xe: {  	s13 =	simm.s32 $0x0;
	s12 =	simm.s32 $0x0;
	s9 =	smul.u32 $0x50, s8  }
.Ltmp0:
0xf: {  	s11 =	smov.u32 s1;
	s2 =	rddreg [dreg:$0x2];
	(pc) =	sbr.rel .LBB2_1-.Ltmp0, $4  }
0x10: {  	_ =	strace $0x8000004A;
	p0 =	sne.s32 s7, s9;
	s9 =	simm.s32 $0x1  }
0x11: {  	[sflag:s6] =	ssyncpa.u1 $0x0;
	s7 =	simm.s32 $0x2;
	s9 =	simm.s32 @!p0 $0x0  }
0x12: {  	[sflag:s7] =	ssyncpa.u1 $0x0;
	p0 =	por $0x0, $0x0;
	s8 =	sadd.s32 s8, s9  }
0x13: {  	vm0 =	vmmov $0xff;
	vm1 =	vcmask $0x3F20;
	s9 =	sadd.s32 $0x27200, s4;
	[sflag:s10] =	ssyncpa.u1 $0x0;
	s10 =	sadd.s32 $0x1, s8  }
.LBB2_6:
0x14: {  	[hbm:s17] =	stream.linear.scatter [tilespmem:s14], [sflag:$0x3], $0x400, $0x38;
	[tilespmem:$0x50A0] =	vst v63  }
.LBB2_7:
0x15: {  	s13 =	sadd.s32 $0x50, s11  }
0x16: {  	s15 =	smov.u32 s1;
	p2 =	slt.s32 s13, s3  }
0x17: {  	s15 =	smov.u32 @p2 s13;
	p2 =	sne.s32 s12, s10  }
.Ltmp1:
0x18: {  	p1 =	slt.u32 s12, $0x2;
	(pc) =	sbr.rel @!p2 .LBB2_8-.Ltmp1, $4  }
0x19: {  	s14 =	simm.s32 @!p1 $0x3  }
0x1a: {  	s16 =	sadd.s32 $0x1, s12;
	_ =	swait.ge @!p1 [sflag:s14], $0x2800  }
0x1b: {  	p0 =	por !p0, !p0;
	s13 =	smov.u32 s11;
	[sflag:s14] =	ssyncset.done @!p1 $0x0  }
0x1c: {  	s12 =	smov.u32 s16;
	s11 =	smov.u32 s15;
	[sflag:s14] =	ssyncadd.s32 @!p1 $0xFFFFD800  }
.LBB2_1:
0x1d: {  	p1 =	sge.u32 s12, s8  }
0x1e: {  	s14 =	sxor.u32 @!p1 $0xFFFFFFFF, s12  }
0x1f: {  	s14 =	sand.u32 @!p1 $0x1, s14  }
0x20: {  	s14 =	smul.u32 @!p1 $0x140, s14  }
0x21: {  	s31 =	sadd.s32 $0xFFFFFFFF, s12;
	s15 =	sshrl.u32 @!p1 s11, $0x3  }
0x22: {  	s16 =	sand.u32 @!p1 $0x7, s11;
	s15 =	sadd.s32 @!p1 s5, s15;
	s14 =	sshrl.u32 @!p1 s14, $0x2  }
0x23: {  	[tilespmem:s14], [sflag:$0x2] =	stream.linear.gather @!p1 [hbm4b:s15+s16], $0x50, $0x38;
	[tilespmem:$0x50A0] =	vst v63  }
0x24: {  	p1 =	sge.u32 s31, s8  }
.Ltmp2:
0x25: {  	_ = 	snop;
	(pc) =	sbr.rel @p1 .LBB2_7-.Ltmp2, $1  }
0x26: {  	_ =	sdelay $0x3  }
0x27: {  	s14 =	simm.s32 $0x1  }
0x28: {  	s14 =	simm.s32 @!p0 $0x0  }
0x29: {  	s15 =	smul.u32 $0x140, s14  }
0x2a: {  	_ =	swait.ge [sflag:s7], $0x50  }
0x2b: {  	[sflag:s7] =	ssyncset.done $0x0;
	s16 =	sshrl.u32 s15, $0x2  }
0x2c: {  	[sflag:s7] =	ssyncadd.s32 $0xFFFFFFB0;
	s15 =	sadd.s32 $0x0, s16  }
0x2d: {  	v0 =	vld.msk [tilespmem:s15+$0x0 ss:$0x1], $0xffff;
	_ =	sdelay $0x4  }
0x2e: {  	vm2 =	vgt.s32 v0, $0x0  }
0x2f: {  	v0 =	vnsel vm2, $0x0, v0  }
0x30: {  	v0 =	vmin.u32 v0, $0x270F  }
0x31: {  	v0 =	vshll.u32 v0, $0x4  }
0x32: {  	s14 =	smul.u32 $0xA000, s14;
	_ =	sdelay $0x1  }
0x33: {  	s14 =	sshrl.u32 s14, $0x2  }
0x34: {  	s14 =	sor.u32 $0xA0, s14  }
0x35: {  	[tilespmem:s14], [sflag:$0x1] =	stream.indirect_vreg.gather [hbm:s4], $0x80, v0, vm0, $0x38;
	[tilespmem:$0x50A0] =	vst v63  }
0x36: {  	s17 =	sadd.s32 $0x10, s16;
	s15 =	sadd.s32 $0x400, s14  }
0x37: {  	[tilespmem:s15], [sflag:$0x1] =	stream.indirect_vreg.gather [hbm:s4], $0x80, v0, vm1, $0x38;
	[tilespmem:$0x50A0] =	vst v63  }
0x38: {  	s18 =	simm.s32 $0x80;
	v0 =	vld.msk [tilespmem:s17+$0x0 ss:$0x1], $0xffff;
	s17 =	smov.u32 s14  }
.LBB2_3:
0x39: {  	p1 =	sne.s32 s18, $0x100;
	_ =	sdelay $0x4  }
0x3a: {  	vm2 =	vgt.s32 v0, $0x0  }
0x3b: {  	v0 =	vnsel vm2, $0x0, v0  }
0x3c: {  	v0 =	vmin.u32 v0, $0x270F  }
0x3d: {  	v0 =	vshll.u32 v0, $0x4;
	_ =	sdelay $0x3  }
.Ltmp3:
0x3e: {  	s19 =	sshra.s32 s18, $0x2;
	s17 =	sadd.s32 $0x800, s17;
	(pc) =	sbr.rel @p1 .LBB2_3-.Ltmp3, $4  }
0x3f: {  	[tilespmem:s17], [sflag:$0x1] =	stream.indirect_vreg.gather [hbm:s4], $0x80, v0, vm0, $0x38;
	[tilespmem:$0x50A0] =	vst v63  }
0x40: {  	s19 =	sadd.s32 s19, s16;
	s20 =	sadd.s32 $0x400, s17  }
0x41: {  	[tilespmem:s20], [sflag:$0x1] =	stream.indirect_vreg.gather [hbm:s4], $0x80, v0, vm1, $0x38;
	[tilespmem:$0x50A0] =	vst v63  }
0x42: {  	s18 =	sadd.s32 $0x40, s18;
	v0 =	vld.msk [tilespmem:s19+$0x0 ss:$0x1], $0xffff  }
0x43: {  	_ =	sdelay $0x3  }
0x44: {  	vm2 =	vgt.s32 v0, $0x0  }
0x45: {  	v0 =	vnsel vm2, $0x0, v0  }
0x46: {  	v0 =	vmin.u32 v0, $0x270F  }
0x47: {  	v0 =	vshll.u32 v0, $0x4;
	_ =	sdelay $0x3  }
0x48: {  	s16 =	sadd.s32 $0x800, s17  }
0x49: {  	[tilespmem:s16], [sflag:$0x1] =	stream.indirect_vreg.gather [hbm:s4], $0x80, v0, vm0, $0x38;
	[tilespmem:$0x50A0] =	vst v63  }
0x4a: {  	s16 =	sadd.s32 $0x400, s16  }
0x4b: {  	[tilespmem:s16], [sflag:$0x1] =	stream.indirect_vreg.gather [hbm:s4], $0x80, v0, vm1, $0x38;
	[tilespmem:$0x50A0] =	vst v63  }
0x4c: {  	s13 =	sshll.u32 s13, $0x4;
	_ =	swait.ge [sflag:s6], $0x2800  }
0x4d: {  	s13 =	sadd.s32 s13, s9;
	[sflag:s6] =	ssyncset.done $0x0  }
0x4e: {  	s17 =	sadd.s32 $0x0, s13;
	s16 =	simm.s32 $0x80;
	[sflag:s6] =	ssyncadd.s32 $0xFFFFD800  }
.LBB2_5:
0x4f: {  	[hbm:s17] =	stream.linear.scatter [tilespmem:s14], [sflag:$0x3], $0x400, $0x38;
	[tilespmem:$0x50A0] =	vst v63  }
0x50: {  	s17 =	smov.u32 s16;
	s14 =	smov.u32 s15;
	p1 =	sne.s32 s16, $0x480  }
.Ltmp4:
0x51: {  	s16 =	sadd.s32 $0x80, s16;
	(pc) =	sbr.rel @p1 .LBB2_5-.Ltmp4, $2  }
0x52: {  	_ =	sdelay $0x2  }
0x53: {  	s15 =	sadd.s32 $0x400, s15;
	s17 =	sadd.s32 s17, s13  }
.Ltmp5:
0x54: {  	_ = 	snop;
	(pc) =	sbr.rel .LBB2_6-.Ltmp5, $1  }
0x55: {  	_ =	sdelay $0x3  }
.LBB2_8:
0x56: {  	_ =	sfence.sel $0x180000  }
0x57: {  	s1 =	simm.s32 $0x2;
	[bflag:$0x0] =	sbarrier.arrive $0xFFFF  }
0x58: {  	s30 =	simm.s32 $0x3;
	[sflag:s1] =	ssyncpa.u1 $0x1  }
0x59: {  	s31 =	simm.s32 $0x1;
	[sflag:s30] =	ssyncpa.u1 $0x1  }
0x5a: {  	[sflag:s31] =	ssyncpa.u1 $0x1  }
0x5b: {  	p0 =	sne.s32 s0, $0x0;
	_ =	strace $0x9000004A  }
0x5c: {  	s0 =	sadd.s32 @!p0 $0x100000, s2;
	[bflag:$0x2] =	sbarrier.arrive $0xFFFF  }
0x5d: {  	[sflag:s0] =	ssyncadd.tile.s32 @!p0 $0x1;
	_ =	shalt  }
.Lfunc_end2:
_tile_overlayer_lowered:
.L_overlay_start_2:
0x5e: {  	(tag) =	ssettag $0x2  }
0x5f: {  	s0 =	rddreg [dreg:$0x0];
	s2 =	stileid.u32  }
0x60: {  	s1 =	rddreg [dreg:$0x1];
	p0 =	sne.s32 s2, $0x0  }
0x61: {  	s3 =	rddreg [dreg:$0x2];
	[bflag:$0x3] =	sbarrier.arrive $0xFFFF;
	s2 =	simm.s32 @!p0 $0x1C01  }
0x62: {  	[timem:s3], [sflag:s2] =	dma.local @!p0 [hbm:s0], s1  }
0x63: {  	s0 =	simm.s32 @!p0 $0x1  }
0x64: {  	_ =	swait.ge @!p0 [sflag:s0], s1  }
0x65: {  	s1 =	ssub.s32 @!p0 $0x0, s1;
	[sflag:s0] =	ssyncset.done @!p0 $0x0  }
0x66: {  	[sflag:s0] =	ssyncadd.s32 @!p0 s1  }
0x67: {  	[bflag:$0x3] =	sbarrier.arrive $0xFFFF  }
0x68: {  	_ =	shalt  }

// kernel: gather_offload_async_start
scs
__scs_entry_jumppad:
0x0: {  	(pc) =	sbr.rel $0x88, $3  }
0x1: {  	(tag) =	ssettag $0x0;
	lr =	simm.s32 $0x1  }
0x2: {  	[smem:$0x3F9A] =	sst lr;
	_ =	strace $0xD0000000  }
0x3: {  	_ = 	snop  }
0x4: {  	_ = 	snop  }
0x5: {  	_ = 	snop  }
0x6: {  	_ = 	snop  }
0x7: {  	_ = 	snop  }
__scs_overlays_trampoline_lowered:
0x8: {  	[smem:$0x3FA9] =	sst s0  }
0x9: {  	[smem:$0x3FAA] =	sst s1  }
0xa: {  	[smem:$0x3FAB] =	sst s2  }
0xb: {  	[smem:$0x3FAC] =	sst s3  }
0xc: {  	[smem:$0x3FAD] =	sst s4  }
0xd: {  	[smem:$0x3FAE] =	sst s5  }
0xe: {  	[smem:$0x3FAF] =	sst s6  }
0xf: {  	[smem:$0x3FB0] =	sst s7  }
0x10: {  	[smem:$0x3FB1] =	sst s8  }
0x11: {  	[smem:$0x3FB2] =	sst s9;
	s0 =	simm.s32 @!p0 $0x0  }
0x12: {  	s1 =	sld [smem:$0x3F98];
	s0 =	simm.s32 @p0 $0x1  }
0x13: {  	[smem:$0x3FB3] =	sst s0;
	s0 =	simm.s32 @!p1 $0x0  }
0x14: {  	s2 =	sld [smem:$0x3F97];
	s0 =	simm.s32 @p1 $0x1  }
0x15: {  	[smem:$0x3FB4] =	sst s0;
	s0 =	simm.s32 @!p2 $0x0  }
0x16: {  	s3 =	sld [smem:$0x3FDB];
	s0 =	simm.s32 @p2 $0x1  }
0x17: {  	s4 =	simm.s32 $0x1BF5;
	[smem:$0x3FB6] =	sst s0  }
0x18: {  	s0 =	sld [smem:$0x3F99];
	_ =	swait.ge [sflag:s4], $0x0  }
0x19: {  	s7 =	sld [smem:$0x3F9A]  }
0x1a: {  	s8 =	sadd.s32 $0xFFFFE003, lr  }
0x1b: {  	s9 =	sadd.s32 $0xFFFFFEF7, lr;
	s5 =	simm.s32 $0xFFFFFFFF;
	p2 =	slt.u32 s8, $0xFFFFF086  }
0x1c: {  	p1 =	slt.u32 s9, $0xF7A;
	s5 =	simm.s32 @!p2 $0x0  }
0x1d: {  	s5 =	simm.s32 @p1 $0x1;
	p0 =	seq.s32 s7, s2  }
0x1e: {  	s7 =	smul.u32 @!p0 $0xF7A, s2;
	p2 =	seq.s32 @!p0 s5, $0x0  }
0x1f: {  	s9 =	smul.u32 $0xF7A, s1;
	s8 =	simm.s32 @!p0 $0x1BF5;
	p2 =	por !p2, p0  }
0x20: {  	[sflag:s8] =	ssyncset.s32 @!p0 $0xFFFFF086;
	s6 =	sadd.s32 @!p0 s3, s7;
	s7 =	simm.s32 @!p0 $0x108  }
0x21: {  	s3 =	sadd.s32 s3, s9;
	s6 =	sadd.s32 @!p0 $0x88, s6;
	s7 =	simm.s32 @p2 $0x1082  }
0x22: {  	[simem:s7], [sflag:s8] =	dma.local @!p0 [hbm:s6], $0xF7A  }
0x23: {  	s9 =	sor.u32 $0xD0000000, s2;
	s6 =	simm.s32 $0x108;
	_ =	swait.ge @!p0 [sflag:s8], $0x0  }
0x24: {  	s3 =	sadd.s32 $0x88, s3;
	s6 =	simm.s32 @!p1 $0x1082;
	[sflag:s4] =	ssyncset.s32 $0xFFFFF086  }
0x25: {  	[simem:s6], [sflag:s4] =	dma.local [hbm:s3], $0xF7A  }
0x26: {  	[smem:$0x3F9A] =	sst s1;
	(tag) =	ssettag s2;
	_ =	strace s9  }
0x27: {  	s1 =	sld [smem:$0x3FAA]  }
0x28: {  	s2 =	sld [smem:$0x3FAB]  }
0x29: {  	s4 =	sld [smem:$0x3FAD]  }
0x2a: {  	p0 =	seq.s32 s5, $0x0;
	s5 =	sld [smem:$0x3FAE]  }
0x2b: {  	s6 =	sld [smem:$0x3FAF]  }
0x2c: {  	s7 =	sld [smem:$0x3FB0]  }
0x2d: {  	s3 =	simm.s32 $0x108;
	s8 =	sld [smem:$0x3FB1]  }
0x2e: {  	s3 =	simm.s32 @!p0 $0x1082;
	s9 =	sld [smem:$0x3FB2]  }
0x2f: {  	lr =	sadd.s32 s0, s3;
	s0 =	sld [smem:$0x3FA9]  }
0x30: {  	s3 =	sld [smem:$0x3FAC]  }
0x31: {  	[smem:$0x3FB5] =	sst s10  }
0x32: {  	s10 =	sld [smem:$0x3FB3];
	_ =	sdelay $0x3  }
0x33: {  	p0 =	seq.s32 s10, $0x1;
	s10 =	sld [smem:$0x3FB5];
	_ =	sdelay $0x3  }
0x34: {  	[smem:$0x3FB5] =	sst s10  }
0x35: {  	s10 =	sld [smem:$0x3FB4];
	_ =	sdelay $0x3  }
0x36: {  	p1 =	seq.s32 s10, $0x1;
	s10 =	sld [smem:$0x3FB5];
	_ =	sdelay $0x3  }
0x37: {  	[smem:$0x3FB5] =	sst s10  }
0x38: {  	s10 =	sld [smem:$0x3FB6]  }
0x39: {  	_ = 	snop;
	(pc) =	sbr.ind lr, $3  }
0x3a: {  	_ = 	snop  }
0x3b: {  	_ = 	snop  }
0x3c: {  	p2 =	seq.s32 s10, $0x1;
	s10 =	sld [smem:$0x3FB5]  }
0x3d: {  	_ =	shalt  }
0x3e: {  	_ =	shalt  }
0x3f: {  	_ =	shalt  }
0x40: {  	_ =	shalt  }
0x41: {  	_ =	shalt  }
0x42: {  	_ =	shalt  }
0x43: {  	_ =	shalt  }
0x44: {  	_ =	shalt  }
0x45: {  	_ =	shalt  }
0x46: {  	_ =	shalt  }
0x47: {  	_ =	shalt  }
0x48: {  	_ =	shalt  }
0x49: {  	_ =	shalt  }
0x4a: {  	_ =	shalt  }
0x4b: {  	_ =	shalt  }
0x4c: {  	_ =	shalt  }
0x4d: {  	_ =	shalt  }
0x4e: {  	_ =	shalt  }
0x4f: {  	_ =	shalt  }
0x50: {  	_ =	shalt  }
0x51: {  	_ =	shalt  }
0x52: {  	_ =	shalt  }
0x53: {  	_ =	shalt  }
0x54: {  	_ =	shalt  }
0x55: {  	_ =	shalt  }
0x56: {  	_ =	shalt  }
0x57: {  	_ =	shalt  }
0x58: {  	_ =	shalt  }
0x59: {  	_ =	shalt  }
0x5a: {  	_ =	shalt  }
0x5b: {  	_ =	shalt  }
0x5c: {  	_ =	shalt  }
0x5d: {  	_ =	shalt  }
0x5e: {  	_ =	shalt  }
0x5f: {  	_ =	shalt  }
0x60: {  	_ =	shalt  }
0x61: {  	_ =	shalt  }
0x62: {  	_ =	shalt  }
0x63: {  	_ =	shalt  }
0x64: {  	_ =	shalt  }
0x65: {  	_ =	shalt  }
0x66: {  	_ =	shalt  }
0x67: {  	_ =	shalt  }
0x68: {  	_ =	shalt  }
0x69: {  	_ =	shalt  }
0x6a: {  	_ =	shalt  }
0x6b: {  	_ =	shalt  }
0x6c: {  	_ =	shalt  }
0x6d: {  	_ =	shalt  }
0x6e: {  	_ =	shalt  }
0x6f: {  	_ =	shalt  }
0x70: {  	_ =	shalt  }
0x71: {  	_ =	shalt  }
0x72: {  	_ =	shalt  }
0x73: {  	_ =	shalt  }
0x74: {  	_ =	shalt  }
0x75: {  	_ =	shalt  }
0x76: {  	_ =	shalt  }
0x77: {  	_ =	shalt  }
0x78: {  	_ =	shalt  }
0x79: {  	_ =	shalt  }
0x7a: {  	_ =	shalt  }
0x7b: {  	_ =	shalt  }
0x7c: {  	_ =	shalt  }
0x7d: {  	_ =	shalt  }
0x7e: {  	_ =	shalt  }
0x7f: {  	_ =	shalt  }
0x80: {  	_ =	shalt  }
0x81: {  	_ =	shalt  }
0x82: {  	_ =	shalt  }
0x83: {  	_ =	shalt  }
0x84: {  	_ =	shalt  }
0x85: {  	_ =	shalt  }
0x86: {  	_ =	shalt  }
0x87: {  	_ =	shalt  }
.Lfunc_end0:
.L_simem_size_0:
called_computation_lowered:
.L_overlay_start_0:
0x88: {  	s0 =	sld [smem:$0x3FD9]  }
0x89: {  	s1 =	sld [smem:$0x3FFE];
	_ =	sdelay $0x3  }
0x8a: {  	s0 =	sadd.s32 s1, s0  }
0x8b: {  	[smem:$0x3FC1] =	sst s0  }
0x8c: {  	_ = 	snop  }
0x8d: {  	(tm) =	ssettm $0x1  }
0x8e: {  	s15 =	sld [smem:$0x3FFB];
	_ =	sdelay $0x3  }
0x8f: {  	_ =	strace s15  }
0x90: {  	s0 =	sld [smem:$0x3FFC];
	_ =	sdelay $0x3  }
0x91: {  	_ =	strace s0  }
0x92: {  	s0 =	sld [smem:$0x3FFD];
	_ =	sdelay $0x3  }
0x93: {  	_ =	strace s0  }
0x94: {  	_ =	strace $0x8FFFFFFF  }
0x95: {  	s16 =	sld [smem:$0x3FDB];
	_ =	sdelay $0x1  }
0x96: {  	s17 =	simm.s32 $_scs_section_size  }
0x97: {  	s2 =	simm.s32 $_size__tile_overlayer_lowered;
	s3 =	simm.s32 $_tile_overlayer_lowered  }
0x98: {  	s20 =	simm.s32 $0x1BFF;
	s19 =	sshll.u32 s3, $0x1;
	s0 =	sadd.s32 s17, s16  }
0x99: {  	s4 =	simm.s32 $0x0;
	s18 =	sshll.u32 s2, $0x1;
	s2 =	sadd.s32 s19, s0  }
0x9a: {  	[timem:s4], [sflag:s20] =	dma.local [hbm:s2], s18  }
0x9b: {  	_ =	swait.ge [sflag:s20], s18  }
0x9c: {  	s1 =	ssub.s32 $0x0, s18;
	[sflag:s20] =	ssyncset.done $0x0  }
0x9d: {  	[sflag:s20] =	ssyncadd.s32 s1;
	_ =	sdelay $0x1  }
0x9e: {  	s21 =	simm.s32 $0x1B8B  }
0x9f: {  	_ =	swait.ge [sflag:s21], $0x1  }
0xa0: {  	[sflag:s21] =	ssyncset.done $0x0  }
0xa1: {  	s23 =	simm.s32 $0x1B8E;
	s22 =	sld [smem:$0x3FFE];
	[sflag:s21] =	ssyncadd.s32 $0xFFFFFFFF  }
0xa2: {  	s24 =	simm.s32 $execute0_lowered;
	[smem:$0x3FD2] =	sst s23  }
0xa3: {  	s2 =	sshll.u32 s24, $0x1;
	_ =	strace $0x80000046;
	[dreg:$0x1] =	wrdreg $0xFFFFFFFF  }
0xa4: {  	s25 =	simm.s32 $_size_execute0_lowered;
	s0 =	sadd.s32 s0, s2;
	[dreg:$0x0] =	wrdreg $0x0  }
0xa5: {  	s2 =	sshll.u32 s25, $0x1;
	[dreg:$0x2] =	wrdreg s0  }
0xa6: {  	[dreg:$0x3] =	wrdreg s2  }
0xa7: {  	[dreg:$0x4] =	wrdreg $0xC0  }
0xa8: {  	_ =	task [dreg:s4], $0x5FFFF  }
0xa9: {  	[dreg:$0x1] =	wrdreg $0xFFFFFFFF  }
0xaa: {  	[dreg:$0x0] =	wrdreg $0x60  }
0xab: {  	[dreg:$0x2] =	wrdreg s22  }
0xac: {  	[dreg:$0x3] =	wrdreg $0x9  }
0xad: {  	_ =	task.clear_ibuf [dreg:s4], $0x4FFFF;
	_ =	strace $0x90000046  }
0xae: {  	s26 =	simm.s32 $0x9;
	_ =	strace $0x80000048  }
0xaf: {  	_ =	swait.ge [sflag:s26], $0x1  }
0xb0: {  	[sflag:s26] =	ssyncadd.s32 $0xFFFFFFFF  }
0xb1: {  	_ =	strace $0x90000048  }
0xb2: {  	_ =	sfence  }
0xb3: {  	s28 =	sld [smem:$0x0];
	_ =	sdelay $0x1  }
0xb4: {  	s29 =	srdreg.scid  }
0xb5: {  	s30 =	sshll.u32 s29, $0xD;
	s31 =	sshrl.u32 s29, $0x2  }
0xb6: {  	s1 =	sand.u32 $0x1, s29;
	s2 =	sand.u32 $0x4000, s30;
	s0 =	sadd.s32 s31, s28  }
0xb7: {  	s1 =	sor.u32 s2, s1;
	s0 =	sshll.u32 s0, $0x11  }
0xb8: {  	s0 =	sor.u32 s0, s1  }
0xb9: {  	s0 =	sadd.s32 $0x8F2B, s0  }
0xba: {  	[sflag:s0] =	ssyncadd.remote.s32 $0x1  }
0xbb: {  	_ =	sfence.sel $0xFFFF  }
0xbc: {  	[dreg:$0x0] =	wrdreg $0xFFFFFFFF;
	(pc) =	sbr.abs _section_cstart, $3  }
0xbd: {  	[dreg:$0x1] =	wrdreg $0xFFFFFFFF  }
0xbe: {  	_ =	task.clear_ibuf [dreg:s4], $0x2FFFF;
	_ =	strace $0x9FFFFFFF  }
0xbf: {  	(tm) =	ssettm $0x7FFFFFFF  }
tec
execute0_lowered:
.L_overlay_start_1:
0x0: {  	(tag) =	ssettag $0x1  }
0x1: {  	s0 =	stileid.u32  }
0x2: {  	s1 =	smin.u32 s0, $0x9  }
0x3: {  	s1 =	sadd.s32 s0, s1  }
0x4: {  	s2 =	simm.s32 $0x320;
	p0 =	slt.u32 s0, $0x9;
	s1 =	smul.u32 $0x190, s1  }
0x5: {  	s2 =	simm.s32 @!p0 $0x190  }
0x6: {  	s2 =	sadd.s32 s2, s1  }
0x7: {  	s3 =	smin.u32 s2, $0x2710  }
0x8: {  	s7 =	ssub.s32 s3, s1  }
0x9: {  	p0 =	sgt.s32 s7, $0x0  }
0xa: {  	s7 =	simm.s32 @!p0 $0x0  }
0xb: {  	s31 =	sand.u32 $0xFFF0, s7  }
0xc: {  	s2 =	sshrl.u32 s31, $0x4  }
0xd: {  	s2 =	smul.u32 $0xA3E, s2  }
0xe: {  	s4 =	rddreg [dreg:$0x0];
	s6 =	simm.s32 $0x1  }
0xf: {  	s10 =	simm.s32 $0x3;
	s13 =	simm.s32 $0x0;
	s8 =	sshrl.u32 s2, $0x10  }
0x10: {  	s12 =	simm.s32 $0x0;
	s5 =	sadd.s32 $0x58000, s4;
	s9 =	smul.u32 $0x190, s8  }
.Ltmp0:
0x11: {  	s11 =	smov.u32 s1;
	s2 =	rddreg [dreg:$0x1];
	(pc) =	sbr.rel .LBB2_1-.Ltmp0, $4  }
0x12: {  	_ =	strace $0x80000047;
	p0 =	sne.s32 s7, s9;
	s9 =	simm.s32 $0x1  }
0x13: {  	[sflag:s6] =	ssyncpa.u1 $0x0;
	s7 =	simm.s32 $0x2;
	s9 =	simm.s32 @!p0 $0x0  }
0x14: {  	[sflag:s7] =	ssyncpa.u1 $0x0;
	p0 =	por $0x0, $0x0;
	s8 =	sadd.s32 s8, s9  }
0x15: {  	vm0 =	vmmov $0xff;
	vm1 =	vcmask $0x3F20;
	s9 =	sadd.s32 $0x58600, s4;
	[sflag:s10] =	ssyncpa.u1 $0x0;
	s10 =	sadd.s32 $0x1, s8  }
.LBB2_6:
0x16: {  	[hbm:s17] =	stream.linear.scatter [tilespmem:s14], [sflag:$0x3], $0x400, $0x38;
	[tilespmem:$0x19320] =	vst v63  }
.LBB2_7:
0x17: {  	s13 =	sadd.s32 $0x190, s11  }
0x18: {  	s15 =	smov.u32 s1;
	p2 =	slt.s32 s13, s3  }
0x19: {  	s15 =	smov.u32 @p2 s13;
	p2 =	sne.s32 s12, s10  }
.Ltmp1:
0x1a: {  	p1 =	slt.u32 s12, $0x2;
	(pc) =	sbr.rel @!p2 .LBB2_8-.Ltmp1, $4  }
0x1b: {  	s14 =	simm.s32 @!p1 $0x3  }
0x1c: {  	s16 =	sadd.s32 $0x1, s12;
	_ =	swait.ge @!p1 [sflag:s14], $0xC800  }
0x1d: {  	p0 =	por !p0, !p0;
	s13 =	smov.u32 s11;
	[sflag:s14] =	ssyncset.done @!p1 $0x0  }
0x1e: {  	s12 =	smov.u32 s16;
	s11 =	smov.u32 s15;
	[sflag:s14] =	ssyncadd.s32 @!p1 $0xFFFF3800  }
.LBB2_1:
0x1f: {  	p1 =	sge.u32 s12, s8  }
0x20: {  	s14 =	sxor.u32 @!p1 $0xFFFFFFFF, s12  }
0x21: {  	s14 =	sand.u32 @!p1 $0x1, s14  }
0x22: {  	s14 =	smul.u32 @!p1 $0x640, s14  }
0x23: {  	s31 =	sadd.s32 $0xFFFFFFFF, s12;
	s15 =	sshrl.u32 @!p1 s11, $0x3  }
0x24: {  	s16 =	sand.u32 @!p1 $0x7, s11;
	s15 =	sadd.s32 @!p1 s5, s15;
	s14 =	sshrl.u32 @!p1 s14, $0x2  }
0x25: {  	[tilespmem:s14], [sflag:$0x2] =	stream.linear.gather @!p1 [hbm4b:s15+s16], $0x190, $0x38;
	[tilespmem:$0x19320] =	vst v63  }
0x26: {  	p1 =	sge.u32 s31, s8  }
.Ltmp2:
0x27: {  	_ = 	snop;
	(pc) =	sbr.rel @p1 .LBB2_7-.Ltmp2, $1  }
0x28: {  	_ =	sdelay $0x3  }
0x29: {  	s14 =	simm.s32 $0x1  }
0x2a: {  	s14 =	simm.s32 @!p0 $0x0  }
0x2b: {  	s15 =	smul.u32 $0x640, s14  }
0x2c: {  	_ =	swait.ge [sflag:s7], $0x190  }
0x2d: {  	[sflag:s7] =	ssyncset.done $0x0;
	s16 =	sshrl.u32 s15, $0x2  }
0x2e: {  	[sflag:s7] =	ssyncadd.s32 $0xFFFFFE70;
	s15 =	sadd.s32 $0x0, s16  }
0x2f: {  	v0 =	vld.msk [tilespmem:s15+$0x0 ss:$0x1], $0xffff;
	_ =	sdelay $0x4  }
0x30: {  	vm2 =	vgt.s32 v0, $0x0  }
0x31: {  	v0 =	vnsel vm2, $0x0, v0  }
0x32: {  	v0 =	vmin.u32 v0, $0x57E3  }
0x33: {  	v0 =	vshll.u32 v0, $0x4  }
0x34: {  	s14 =	smul.u32 $0x32000, s14;
	_ =	sdelay $0x1  }
0x35: {  	s14 =	sshrl.u32 s14, $0x2  }
0x36: {  	s14 =	sor.u32 $0x320, s14  }
0x37: {  	[tilespmem:s14], [sflag:$0x1] =	stream.indirect_vreg.gather [hbm:s4], $0x80, v0, vm0, $0x38;
	[tilespmem:$0x19320] =	vst v63  }
0x38: {  	s17 =	sadd.s32 $0x10, s16;
	s15 =	sadd.s32 $0x400, s14  }
0x39: {  	[tilespmem:s15], [sflag:$0x1] =	stream.indirect_vreg.gather [hbm:s4], $0x80, v0, vm1, $0x38;
	[tilespmem:$0x19320] =	vst v63  }
0x3a: {  	s18 =	simm.s32 $0x80;
	v0 =	vld.msk [tilespmem:s17+$0x0 ss:$0x1], $0xffff;
	s17 =	smov.u32 s14  }
.LBB2_3:
0x3b: {  	p1 =	sne.s32 s18, $0x600;
	_ =	sdelay $0x4  }
0x3c: {  	vm2 =	vgt.s32 v0, $0x0  }
0x3d: {  	v0 =	vnsel vm2, $0x0, v0  }
0x3e: {  	v0 =	vmin.u32 v0, $0x57E3  }
0x3f: {  	v0 =	vshll.u32 v0, $0x4;
	_ =	sdelay $0x3  }
.Ltmp3:
0x40: {  	s19 =	sshra.s32 s18, $0x2;
	s17 =	sadd.s32 $0x800, s17;
	(pc) =	sbr.rel @p1 .LBB2_3-.Ltmp3, $4  }
0x41: {  	[tilespmem:s17], [sflag:$0x1] =	stream.indirect_vreg.gather [hbm:s4], $0x80, v0, vm0, $0x38;
	[tilespmem:$0x19320] =	vst v63  }
0x42: {  	s19 =	sadd.s32 s19, s16;
	s20 =	sadd.s32 $0x400, s17  }
0x43: {  	[tilespmem:s20], [sflag:$0x1] =	stream.indirect_vreg.gather [hbm:s4], $0x80, v0, vm1, $0x38;
	[tilespmem:$0x19320] =	vst v63  }
0x44: {  	s18 =	sadd.s32 $0x40, s18;
	v0 =	vld.msk [tilespmem:s19+$0x0 ss:$0x1], $0xffff  }
0x45: {  	_ =	sdelay $0x3  }
0x46: {  	vm2 =	vgt.s32 v0, $0x0  }
0x47: {  	v0 =	vnsel vm2, $0x0, v0  }
0x48: {  	v0 =	vmin.u32 v0, $0x57E3  }
0x49: {  	v0 =	vshll.u32 v0, $0x4;
	_ =	sdelay $0x3  }
0x4a: {  	s16 =	sadd.s32 $0x800, s17  }
0x4b: {  	[tilespmem:s16], [sflag:$0x1] =	stream.indirect_vreg.gather [hbm:s4], $0x80, v0, vm0, $0x38;
	[tilespmem:$0x19320] =	vst v63  }
0x4c: {  	s16 =	sadd.s32 $0x400, s16  }
0x4d: {  	[tilespmem:s16], [sflag:$0x1] =	stream.indirect_vreg.gather [hbm:s4], $0x80, v0, vm1, $0x38;
	[tilespmem:$0x19320] =	vst v63  }
0x4e: {  	s13 =	sshll.u32 s13, $0x4;
	_ =	swait.ge [sflag:s6], $0xC800  }
0x4f: {  	s13 =	sadd.s32 s13, s9;
	[sflag:s6] =	ssyncset.done $0x0  }
0x50: {  	s17 =	sadd.s32 $0x0, s13;
	s16 =	simm.s32 $0x80;
	[sflag:s6] =	ssyncadd.s32 $0xFFFF3800  }
.LBB2_5:
0x51: {  	[hbm:s17] =	stream.linear.scatter [tilespmem:s14], [sflag:$0x3], $0x400, $0x38;
	[tilespmem:$0x19320] =	vst v63  }
0x52: {  	s17 =	smov.u32 s16;
	s14 =	smov.u32 s15;
	p1 =	sne.s32 s16, $0x1880  }
.Ltmp4:
0x53: {  	s16 =	sadd.s32 $0x80, s16;
	(pc) =	sbr.rel @p1 .LBB2_5-.Ltmp4, $2  }
0x54: {  	_ =	sdelay $0x2  }
0x55: {  	s15 =	sadd.s32 $0x400, s15;
	s17 =	sadd.s32 s17, s13  }
.Ltmp5:
0x56: {  	_ = 	snop;
	(pc) =	sbr.rel .LBB2_6-.Ltmp5, $1  }
0x57: {  	_ =	sdelay $0x3  }
.LBB2_8:
0x58: {  	_ =	sfence.sel $0x180000  }
0x59: {  	s1 =	simm.s32 $0x2;
	[bflag:$0x0] =	sbarrier.arrive $0xFFFF  }
0x5a: {  	s30 =	simm.s32 $0x3;
	[sflag:s1] =	ssyncpa.u1 $0x1  }
0x5b: {  	s31 =	simm.s32 $0x1;
	[sflag:s30] =	ssyncpa.u1 $0x1  }
0x5c: {  	[sflag:s31] =	ssyncpa.u1 $0x1  }
0x5d: {  	p0 =	sne.s32 s0, $0x0;
	_ =	strace $0x90000047  }
0x5e: {  	s0 =	sadd.s32 @!p0 $0x100000, s2;
	[bflag:$0x2] =	sbarrier.arrive $0xFFFF  }
0x5f: {  	[sflag:s0] =	ssyncadd.tile.s32 @!p0 $0x1;
	_ =	shalt  }
.Lfunc_end2:
_tile_overlayer_lowered:
.L_overlay_start_2:
0x60: {  	(tag) =	ssettag $0x2  }
0x61: {  	s0 =	rddreg [dreg:$0x0];
	s2 =	stileid.u32  }
0x62: {  	s1 =	rddreg [dreg:$0x1];
	p0 =	sne.s32 s2, $0x0  }
0x63: {  	s3 =	rddreg [dreg:$0x2];
	[bflag:$0x3] =	sbarrier.arrive $0xFFFF;
	s2 =	simm.s32 @!p0 $0x1C01  }
0x64: {  	[timem:s3], [sflag:s2] =	dma.local @!p0 [hbm:s0], s1  }
0x65: {  	s0 =	simm.s32 @!p0 $0x1  }
0x66: {  	_ =	swait.ge @!p0 [sflag:s0], s1  }
0x67: {  	s1 =	ssub.s32 @!p0 $0x0, s1;
	[sflag:s0] =	ssyncset.done @!p0 $0x0  }
0x68: {  	[sflag:s0] =	ssyncadd.s32 @!p0 s1  }
0x69: {  	[bflag:$0x3] =	sbarrier.arrive $0xFFFF  }
0x6a: {  	_ =	shalt  }

</sc_bundles>
